<compile_context>
chip_gen: v7x
topology: tpu7x:2x2x1
jax: 0.10.2.dev20260603
libtpu: 0.0.44.dev20260713+nightly
codegen_flags: <defaults>
</compile_context>

<pallas_src>
import functools

import jax
import jax.numpy as jnp
from jax import lax
from jax.experimental import pallas as pl
from jax.experimental.pallas import tpu as pltpu
from jax.experimental.pallas import tpu_sc as plsc

EMBD = 64
NSETS = 6
BATCH = 4096
RTOT = NSETS * BATCH
NWORK = 32
ROWS_PER_W = RTOT // NWORK
CHUNK = 128
NCHUNK = ROWS_PER_W // CHUNK
TILE = 256
NTILES = RTOT // TILE
TPB = BATCH // TILE


RBLK = 2048


def _repack_body(inT_ref, out_ref):
    xt = inT_ref[...].T
    out_ref[...] = jnp.concatenate([xt[:RBLK // 2], xt[RBLK // 2:]], axis=1)


def _tc_repack(tbl, blk_l):
    tblT = tbl.T
    V = tblT.shape[1]
    grid = (V + blk_l - 1) // blk_l
    return pl.pallas_call(
        _repack_body,
        grid=(grid,),
        in_specs=[pl.BlockSpec((EMBD, blk_l), lambda i: (0, i))],
        out_specs=pl.BlockSpec((blk_l // 2, 2 * EMBD), lambda i: (i, 0)),
        out_shape=jax.ShapeDtypeStruct((grid * blk_l // 2, 2 * EMBD),
                                       jnp.float32),
    )(tblT)


def _sc_gather(user2, poi2, uidx3, pidx3):
    mesh = plsc.VectorSubcoreMesh(core_axis_name="c", subcore_axis_name="s")
    row_ty = jax.ShapeDtypeStruct((RTOT, 2 * EMBD), jnp.float32)

    @functools.partial(
        pl.kernel,
        mesh=mesh,
        out_type=[row_ty, row_ty],
        scratch_types=[
            pltpu.VMEM((NCHUNK, CHUNK), jnp.int32),
            pltpu.VMEM((ROWS_PER_W, 2 * EMBD), jnp.float32),
            pltpu.SemaphoreType.DMA,
        ],
    )
    def gk(user_hbm, poi_hbm, uidx_hbm, pidx_hbm, out_u, out_p,
           idx_v, rows_v, sem):
        wid = lax.axis_index("s") * 2 + lax.axis_index("c")
        base = wid * ROWS_PER_W
        for table, idxh, out in ((user_hbm, uidx_hbm, out_u),
                                 (poi_hbm, pidx_hbm, out_p)):
            pltpu.sync_copy(idxh.at[wid], idx_v)
            copies = [
                pltpu.async_copy(table.at[idx_v.at[j]],
                                 rows_v.at[pl.ds(j * CHUNK, CHUNK)], sem)
                for j in range(NCHUNK)
            ]
            for c in copies:
                c.wait()
            pltpu.sync_copy(rows_v, out.at[pl.ds(base, ROWS_PER_W)])

    return gk(user2, poi2, uidx3, pidx3)


def _score_body(tidx_ref, uidx_ref, pidx_ref, uT_ref, pT_ref, projT_ref,
                timeT_ref, out_ref, neg_ref):
    i = pl.program_id(0)
    s = i // TPB
    nt = projT_ref.shape[1]
    tid = tidx_ref[0]
    iota_t = lax.broadcasted_iota(jnp.int32, (nt, TILE), 0)
    ohf = (tid == iota_t).astype(jnp.float32)
    HT = jnp.dot(projT_ref[...], ohf.astype(jnp.bfloat16),
                 preferred_element_type=jnp.float32)
    tsel = jnp.dot(timeT_ref[...], ohf,
                   preferred_element_type=jnp.float32)
    uhalf = (uidx_ref[0] % RBLK) >= (RBLK // 2)
    phalf = (pidx_ref[0] % RBLK) >= (RBLK // 2)
    urows = uT_ref[...].T
    prows = pT_ref[...].T
    u = jnp.where(uhalf, urows[EMBD:, :], urows[:EMBD, :])
    p = jnp.where(phalf, prows[EMBD:, :], prows[:EMBD, :])
    H3 = HT.reshape(EMBD, EMBD, TILE)
    v = jnp.sum(H3 * u[None, :, :], axis=1)
    score = jnp.sum((v + tsel) * p, axis=0)
    sp = jnp.log(1.0 + jnp.exp(-jnp.abs(score)))
    ls_pos = jnp.minimum(score, 0.0) - sp
    ls_neg = -jnp.maximum(score, 0.0) - sp
    out_ref[...] = (-ls_pos).reshape(1, 1, TILE)

    @pl.when(i == TPB)
    def _init():
        neg_ref[...] = jnp.zeros_like(neg_ref)

    @pl.when(i >= TPB)
    def _acc():
        rows = lax.broadcasted_iota(jnp.int32, (8, 128), 0)
        cols = lax.broadcasted_iota(jnp.int32, (8, 128), 1)
        mask = (rows == (s - 1)) & (cols == 0)
        neg_ref[...] += jnp.where(mask, -jnp.sum(ls_neg), 0.0)


def _tc_score(tidx3, uidx3, pidx3, uT, pT, projT_bf, timeT):
    return pl.pallas_call(
        _score_body,
        grid=(NTILES,),
        in_specs=[
            pl.BlockSpec((1, 1, TILE), lambda i: (i, 0, 0)),
            pl.BlockSpec((1, 1, TILE), lambda i: (i, 0, 0)),
            pl.BlockSpec((1, 1, TILE), lambda i: (i, 0, 0)),
            pl.BlockSpec((TILE, 2 * EMBD), lambda i: (i, 0)),
            pl.BlockSpec((TILE, 2 * EMBD), lambda i: (i, 0)),
            pl.BlockSpec(projT_bf.shape, lambda i: (0, 0)),
            pl.BlockSpec(timeT.shape, lambda i: (0, 0)),
        ],
        out_specs=[
            pl.BlockSpec((1, 1, TILE), lambda i: (i, 0, 0)),
            pl.BlockSpec((8, 128), lambda i: (0, 0)),
        ],
        out_shape=[
            jax.ShapeDtypeStruct((NTILES, 1, TILE), jnp.float32),
            jax.ShapeDtypeStruct((8, 128), jnp.float32),
        ],
    )(tidx3, uidx3, pidx3, uT, pT, projT_bf, timeT)


def kernel(pos_u, pos_t, pos_p, neg_u, neg_t, neg_p, NS, user_W, poi_W,
           time_W, proj_W):
    nneg = neg_u.shape[0]
    all_u = jnp.concatenate([pos_u[None, :], neg_u], 0).reshape(-1).astype(jnp.int32)
    all_t = jnp.concatenate([pos_t[None, :], neg_t], 0).reshape(-1).astype(jnp.int32)
    all_p = jnp.concatenate([pos_p[None, :], neg_p], 0).reshape(-1).astype(jnp.int32)
    user2 = _tc_repack(user_W, RBLK)
    poi2 = _tc_repack(poi_W, RBLK)
    hb = RBLK // 2
    upacked = (all_u // RBLK) * hb + all_u % hb
    ppacked = (all_p // RBLK) * hb + all_p % hb
    u_pairs, p_pairs = _sc_gather(
        user2, poi2,
        upacked.reshape(NWORK, NCHUNK, CHUNK),
        ppacked.reshape(NWORK, NCHUNK, CHUNK))
    out_all, neg_out = _tc_score(
        all_t.reshape(NTILES, 1, TILE),
        all_u.reshape(NTILES, 1, TILE),
        all_p.reshape(NTILES, 1, TILE),
        u_pairs, p_pairs,
        proj_W.T.astype(jnp.bfloat16),
        time_W.T)
    pos = out_all.reshape(-1)[:BATCH]
    neg = neg_out[:nneg, 0]
    return (pos, neg)

# --- scband reference (transcript-rebuilt; emitter-appended) ---
"""Pipeline reference for scband-lbgc-v4-82377472737493 (READ-ONLY COPY).

The authoritative reference and input builder live on the scoring server;
editing this copy changes nothing except your own understanding.
"""

import jax, jax.numpy as jnp
import numpy as np

U_TOTAL, P_TOTAL, T_TOTAL = 100000, 1000000, 168
EMB, TEMB = 64, 64
B, NSAMP = 4096, 5


def _norm_rows(x):
    return x / jnp.linalg.norm(x, axis=1, keepdims=True)


def _proj_transR(original, proj_matrix):
    # original: [B, d_ent], proj_matrix: [B, d_rel*d_ent]
    d_ent = original.shape[1]
    d_rel = proj_matrix.shape[1] // d_ent
    pm = proj_matrix.reshape(-1, d_rel, d_ent)
    return jnp.einsum('bre,be->br', pm, original)


def setup_inputs(seed: int = 0) -> dict:
    key = jax.random.key(seed)
    ks = jax.random.split(key, 10)
    user_W = _norm_rows(jax.random.normal(ks[0], (U_TOTAL, EMB), dtype=jnp.float32))
    poi_W = _norm_rows(jax.random.normal(ks[1], (P_TOTAL, EMB), dtype=jnp.float32))
    time_W = _norm_rows(jax.random.normal(ks[2], (T_TOTAL, TEMB), dtype=jnp.float32))
    proj_W = _norm_rows(jax.random.normal(ks[3], (T_TOTAL, TEMB * EMB), dtype=jnp.float32))
    pos_u = jax.random.randint(ks[4], (B,), 0, U_TOTAL, dtype=jnp.int64 if jax.config.jax_enable_x64 else jnp.int32)
    pos_t = jax.random.randint(ks[5], (B,), 0, T_TOTAL)
    pos_p = jax.random.randint(ks[6], (B,), 0, P_TOTAL)
    neg_u = jax.random.randint(ks[7], (NSAMP, B), 0, U_TOTAL)
    neg_t = jax.random.randint(ks[8], (NSAMP, B), 0, T_TOTAL)
    neg_p = jax.random.randint(ks[9], (NSAMP, B), 0, P_TOTAL)
    return {
        'pos_u': pos_u, 'pos_t': pos_t, 'pos_p': pos_p,
        'neg_u': neg_u, 'neg_t': neg_t, 'neg_p': neg_p,
        'NS': NSAMP,
        'user_W': user_W, 'poi_W': poi_W, 'time_W': time_W, 'proj_W': proj_W,
    }


def reference(pos_u, pos_t, pos_p, neg_u, neg_t, neg_p, NS, user_W, poi_W, time_W, proj_W):
    # positive triples
    pos_u_spa = jnp.take(user_W, pos_u, axis=0)
    pos_t_spa = jnp.take(time_W, pos_t, axis=0)
    pos_p_e = jnp.take(poi_W, pos_p, axis=0)
    pos_proj_spa = jnp.take(proj_W, pos_t, axis=0)
    pos_u_spa_e = _proj_transR(pos_u_spa, pos_proj_spa)

    errs = []
    for i in range(neg_p.shape[0]):
        nu = neg_u[i]
        nt = neg_t[i]
        npp = neg_p[i]
        neg_u_spa = jnp.take(user_W, nu, axis=0)
        neg_t_spa = jnp.take(time_W, nt, axis=0)
        neg_p_e = jnp.take(poi_W, npp, axis=0)
        neg_proj_spa = jnp.take(proj_W, nt, axis=0)
        neg_u_spa_e = _proj_transR(neg_u_spa, neg_proj_spa)
        p_error = -1.0 * (neg_u_spa_e + neg_t_spa) * neg_p_e
        p_error = jax.nn.log_sigmoid(jnp.sum(p_error, axis=1))
        errs.append(jnp.sum(p_error))
    neg = jnp.stack(errs)

    pspa = (pos_u_spa_e + pos_t_spa) * pos_p_e
    pspa = jax.nn.log_sigmoid(jnp.sum(pspa, axis=1))
    pos = -1.0 * pspa
    neg = -1.0 * neg
    return (pos, neg)

if __name__ == "__main__":
    import jax
    _d = setup_inputs()
    print(jax.jit(kernel)(*tuple(_d.values())))

</pallas_src>

<mosaic_0001>
#map = affine_map<(d0, d1) -> (0, 0)>
#map1 = affine_map<(d0, d1) -> (0, 0, 0)>
module attributes {stable_mosaic.version = 14 : i64} {
  func.func @gk(%arg0: i32, %arg1: i32, %arg2: memref<50176x128xf32, #tpu.memory_space<hbm>>, %arg3: memref<500736x128xf32, #tpu.memory_space<hbm>>, %arg4: memref<32x6x128xi32, #tpu.memory_space<hbm>>, %arg5: memref<32x6x128xi32, #tpu.memory_space<hbm>>, %arg6: memref<24576x128xf32, #tpu.memory_space<hbm>>, %arg7: memref<24576x128xf32, #tpu.memory_space<hbm>>, %arg8: memref<6x128xi32, #tpu.memory_space<vmem>>, %arg9: memref<768x128xf32, #tpu.memory_space<vmem>>, %arg10: memref<!tpu.dma_semaphore, #tpu.memory_space<semaphore_mem>>) attributes {dimension_semantics = [#tpu.dimension_semantics<core_parallel>, #tpu.dimension_semantics<subcore_parallel>], iteration_bounds = array<i64: 2, 16>, scalar_prefetch = 0 : i64, scratch_operands = 3 : i64, tpu.core_type = #tpu.core_type<sc_vector_subcore>, window_params = [{transform_indices = #map}, {transform_indices = #map}, {transform_indices = #map1}, {transform_indices = #map1}, {transform_indices = #map}, {transform_indices = #map}]} {
    %mul3A = arith.constant 2 : i32
    %mul3A_0 = arith.muli %arg1, %mul3A : i32
    %add3A = arith.addi %mul3A_0, %arg0 : i32
    %mul3A_1 = arith.constant 768 : i32
    %mul3A_2 = arith.muli %add3A, %mul3A_1 : i32
    "tpu.region"() ({
      %run_scoped3A = tpu.sem_alloc : memref<!tpu.dma_semaphore, #tpu.memory_space<semaphore_mem>>
      %dma_start3A_241 = arith.constant 0 : i32
      %dma_start3A_242 = arith.constant 0 : i32
      %dma_start3A_243 = tpu.memref_slice %arg4[%add3A, %dma_start3A_241, %dma_start3A_242] : memref<32x6x128xi32, #tpu.memory_space<hbm>> -> memref<1x6x128xi32, #tpu.memory_space<hbm>>
      %dma_start3A_244 = tpu.memref_squeeze %dma_start3A_243 : memref<1x6x128xi32, #tpu.memory_space<hbm>> -> memref<6x128xi32, #tpu.memory_space<hbm>>
      %dma_start3A_245 = arith.constant 0 : i32
      %dma_start3A_246 = arith.constant 0 : i32
      %dma_start3A_247 = tpu.memref_slice %arg4[%add3A, %dma_start3A_245, %dma_start3A_246] : memref<32x6x128xi32, #tpu.memory_space<hbm>> -> memref<1x6x128xi32, #tpu.memory_space<hbm>>
      %dma_start3A_248 = tpu.memref_squeeze %dma_start3A_247 : memref<1x6x128xi32, #tpu.memory_space<hbm>> -> memref<6x128xi32, #tpu.memory_space<hbm>>
      tpu.enqueue_dma source(%dma_start3A_248 : memref<6x128xi32, #tpu.memory_space<hbm>>) target(%arg8 : memref<6x128xi32, #tpu.memory_space<vmem>>) target_semaphore(%run_scoped3A : memref<!tpu.dma_semaphore, #tpu.memory_space<semaphore_mem>>)
      %dma_wait3A_249 = arith.constant 0 : i32
      %dma_wait3A_250 = arith.constant 0 : i32
      %dma_wait3A_251 = tpu.memref_slice %arg4[%add3A, %dma_wait3A_249, %dma_wait3A_250] : memref<32x6x128xi32, #tpu.memory_space<hbm>> -> memref<1x6x128xi32, #tpu.memory_space<hbm>>
      %dma_wait3A_252 = tpu.memref_squeeze %dma_wait3A_251 : memref<1x6x128xi32, #tpu.memory_space<hbm>> -> memref<6x128xi32, #tpu.memory_space<hbm>>
      %dma_wait3A_253 = arith.constant 0 : i32
      %dma_wait3A_254 = arith.constant 0 : i32
      %dma_wait3A_255 = tpu.memref_slice %arg4[%add3A, %dma_wait3A_253, %dma_wait3A_254] : memref<32x6x128xi32, #tpu.memory_space<hbm>> -> memref<1x6x128xi32, #tpu.memory_space<hbm>>
      %dma_wait3A_256 = tpu.memref_squeeze %dma_wait3A_255 : memref<1x6x128xi32, #tpu.memory_space<hbm>> -> memref<6x128xi32, #tpu.memory_space<hbm>>
      tpu.wait_dma2 semaphore(%run_scoped3A : memref<!tpu.dma_semaphore, #tpu.memory_space<semaphore_mem>>) src(%dma_wait3A_256 : memref<6x128xi32, #tpu.memory_space<hbm>>) dst(%arg8 : memref<6x128xi32, #tpu.memory_space<vmem>>)
      tpu.yield
    }) : () -> ()
    %dma_start3A = arith.constant 0 : i32
    %dma_start3A_3 = arith.constant 0 : i32
    %dma_start3A_4 = arith.constant 0 : i32
    %dma_start3A_5 = tpu.memref_slice %arg9[%dma_start3A_3, %dma_start3A_4] : memref<768x128xf32, #tpu.memory_space<vmem>> -> memref<128x128xf32, #tpu.memory_space<vmem>>
    %dma_start3A_6 = arith.constant 0 : i32
    %dma_start3A_7 = tpu.memref_slice %arg8[%dma_start3A, %dma_start3A_6] : memref<6x128xi32, #tpu.memory_space<vmem>> -> memref<1x128xi32, #tpu.memory_space<vmem>>
    %dma_start3A_8 = tpu.memref_squeeze %dma_start3A_7 : memref<1x128xi32, #tpu.memory_space<vmem>> -> memref<128xi32, #tpu.memory_space<vmem>>
    %dma_start3A_9 = arith.constant 0 : i32
    %dma_start3A_10 = arith.constant 0 : i32
    %dma_start3A_11 = tpu.memref_slice %arg2[%dma_start3A_9, %dma_start3A_10] : memref<50176x128xf32, #tpu.memory_space<hbm>> -> memref<50176x128xf32, #tpu.memory_space<hbm>>
    tpu.enqueue_indirect_dma source(%dma_start3A_11 : memref<50176x128xf32, #tpu.memory_space<hbm>>) target(%dma_start3A_5 : memref<128x128xf32, #tpu.memory_space<vmem>>) offsets(%dma_start3A_8 : memref<128xi32, #tpu.memory_space<vmem>>) semaphore(%arg10 : memref<!tpu.dma_semaphore, #tpu.memory_space<semaphore_mem>>)
    %dma_start3A_12 = arith.constant 1 : i32
    %dma_start3A_13 = arith.constant 128 : i32
    %dma_start3A_14 = arith.constant 0 : i32
    %dma_start3A_15 = tpu.memref_slice %arg9[%dma_start3A_13, %dma_start3A_14] : memref<768x128xf32, #tpu.memory_space<vmem>> -> memref<128x128xf32, #tpu.memory_space<vmem>>
    %dma_start3A_16 = arith.constant 0 : i32
    %dma_start3A_17 = tpu.memref_slice %arg8[%dma_start3A_12, %dma_start3A_16] : memref<6x128xi32, #tpu.memory_space<vmem>> -> memref<1x128xi32, #tpu.memory_space<vmem>>
    %dma_start3A_18 = tpu.memref_squeeze %dma_start3A_17 : memref<1x128xi32, #tpu.memory_space<vmem>> -> memref<128xi32, #tpu.memory_space<vmem>>
    %dma_start3A_19 = arith.constant 0 : i32
    %dma_start3A_20 = arith.constant 0 : i32
    %dma_start3A_21 = tpu.memref_slice %arg2[%dma_start3A_19, %dma_start3A_20] : memref<50176x128xf32, #tpu.memory_space<hbm>> -> memref<50176x128xf32, #tpu.memory_space<hbm>>
    tpu.enqueue_indirect_dma source(%dma_start3A_21 : memref<50176x128xf32, #tpu.memory_space<hbm>>) target(%dma_start3A_15 : memref<128x128xf32, #tpu.memory_space<vmem>>) offsets(%dma_start3A_18 : memref<128xi32, #tpu.memory_space<vmem>>) semaphore(%arg10 : memref<!tpu.dma_semaphore, #tpu.memory_space<semaphore_mem>>)
    %dma_start3A_22 = arith.constant 2 : i32
    %dma_start3A_23 = arith.constant 256 : i32
    %dma_start3A_24 = arith.constant 0 : i32
    %dma_start3A_25 = tpu.memref_slice %arg9[%dma_start3A_23, %dma_start3A_24] : memref<768x128xf32, #tpu.memory_space<vmem>> -> memref<128x128xf32, #tpu.memory_space<vmem>>
    %dma_start3A_26 = arith.constant 0 : i32
    %dma_start3A_27 = tpu.memref_slice %arg8[%dma_start3A_22, %dma_start3A_26] : memref<6x128xi32, #tpu.memory_space<vmem>> -> memref<1x128xi32, #tpu.memory_space<vmem>>
    %dma_start3A_28 = tpu.memref_squeeze %dma_start3A_27 : memref<1x128xi32, #tpu.memory_space<vmem>> -> memref<128xi32, #tpu.memory_space<vmem>>
    %dma_start3A_29 = arith.constant 0 : i32
    %dma_start3A_30 = arith.constant 0 : i32
    %dma_start3A_31 = tpu.memref_slice %arg2[%dma_start3A_29, %dma_start3A_30] : memref<50176x128xf32, #tpu.memory_space<hbm>> -> memref<50176x128xf32, #tpu.memory_space<hbm>>
    tpu.enqueue_indirect_dma source(%dma_start3A_31 : memref<50176x128xf32, #tpu.memory_space<hbm>>) target(%dma_start3A_25 : memref<128x128xf32, #tpu.memory_space<vmem>>) offsets(%dma_start3A_28 : memref<128xi32, #tpu.memory_space<vmem>>) semaphore(%arg10 : memref<!tpu.dma_semaphore, #tpu.memory_space<semaphore_mem>>)
    %dma_start3A_32 = arith.constant 3 : i32
    %dma_start3A_33 = arith.constant 384 : i32
    %dma_start3A_34 = arith.constant 0 : i32
    %dma_start3A_35 = tpu.memref_slice %arg9[%dma_start3A_33, %dma_start3A_34] : memref<768x128xf32, #tpu.memory_space<vmem>> -> memref<128x128xf32, #tpu.memory_space<vmem>>
    %dma_start3A_36 = arith.constant 0 : i32
    %dma_start3A_37 = tpu.memref_slice %arg8[%dma_start3A_32, %dma_start3A_36] : memref<6x128xi32, #tpu.memory_space<vmem>> -> memref<1x128xi32, #tpu.memory_space<vmem>>
    %dma_start3A_38 = tpu.memref_squeeze %dma_start3A_37 : memref<1x128xi32, #tpu.memory_space<vmem>> -> memref<128xi32, #tpu.memory_space<vmem>>
    %dma_start3A_39 = arith.constant 0 : i32
    %dma_start3A_40 = arith.constant 0 : i32
    %dma_start3A_41 = tpu.memref_slice %arg2[%dma_start3A_39, %dma_start3A_40] : memref<50176x128xf32, #tpu.memory_space<hbm>> -> memref<50176x128xf32, #tpu.memory_space<hbm>>
    tpu.enqueue_indirect_dma source(%dma_start3A_41 : memref<50176x128xf32, #tpu.memory_space<hbm>>) target(%dma_start3A_35 : memref<128x128xf32, #tpu.memory_space<vmem>>) offsets(%dma_start3A_38 : memref<128xi32, #tpu.memory_space<vmem>>) semaphore(%arg10 : memref<!tpu.dma_semaphore, #tpu.memory_space<semaphore_mem>>)
    %dma_start3A_42 = arith.constant 4 : i32
    %dma_start3A_43 = arith.constant 512 : i32
    %dma_start3A_44 = arith.constant 0 : i32
    %dma_start3A_45 = tpu.memref_slice %arg9[%dma_start3A_43, %dma_start3A_44] : memref<768x128xf32, #tpu.memory_space<vmem>> -> memref<128x128xf32, #tpu.memory_space<vmem>>
    %dma_start3A_46 = arith.constant 0 : i32
    %dma_start3A_47 = tpu.memref_slice %arg8[%dma_start3A_42, %dma_start3A_46] : memref<6x128xi32, #tpu.memory_space<vmem>> -> memref<1x128xi32, #tpu.memory_space<vmem>>
    %dma_start3A_48 = tpu.memref_squeeze %dma_start3A_47 : memref<1x128xi32, #tpu.memory_space<vmem>> -> memref<128xi32, #tpu.memory_space<vmem>>
    %dma_start3A_49 = arith.constant 0 : i32
    %dma_start3A_50 = arith.constant 0 : i32
    %dma_start3A_51 = tpu.memref_slice %arg2[%dma_start3A_49, %dma_start3A_50] : memref<50176x128xf32, #tpu.memory_space<hbm>> -> memref<50176x128xf32, #tpu.memory_space<hbm>>
    tpu.enqueue_indirect_dma source(%dma_start3A_51 : memref<50176x128xf32, #tpu.memory_space<hbm>>) target(%dma_start3A_45 : memref<128x128xf32, #tpu.memory_space<vmem>>) offsets(%dma_start3A_48 : memref<128xi32, #tpu.memory_space<vmem>>) semaphore(%arg10 : memref<!tpu.dma_semaphore, #tpu.memory_space<semaphore_mem>>)
    %dma_start3A_52 = arith.constant 5 : i32
    %dma_start3A_53 = arith.constant 640 : i32
    %dma_start3A_54 = arith.constant 0 : i32
    %dma_start3A_55 = tpu.memref_slice %arg9[%dma_start3A_53, %dma_start3A_54] : memref<768x128xf32, #tpu.memory_space<vmem>> -> memref<128x128xf32, #tpu.memory_space<vmem>>
    %dma_start3A_56 = arith.constant 0 : i32
    %dma_start3A_57 = tpu.memref_slice %arg8[%dma_start3A_52, %dma_start3A_56] : memref<6x128xi32, #tpu.memory_space<vmem>> -> memref<1x128xi32, #tpu.memory_space<vmem>>
    %dma_start3A_58 = tpu.memref_squeeze %dma_start3A_57 : memref<1x128xi32, #tpu.memory_space<vmem>> -> memref<128xi32, #tpu.memory_space<vmem>>
    %dma_start3A_59 = arith.constant 0 : i32
    %dma_start3A_60 = arith.constant 0 : i32
    %dma_start3A_61 = tpu.memref_slice %arg2[%dma_start3A_59, %dma_start3A_60] : memref<50176x128xf32, #tpu.memory_space<hbm>> -> memref<50176x128xf32, #tpu.memory_space<hbm>>
    tpu.enqueue_indirect_dma source(%dma_start3A_61 : memref<50176x128xf32, #tpu.memory_space<hbm>>) target(%dma_start3A_55 : memref<128x128xf32, #tpu.memory_space<vmem>>) offsets(%dma_start3A_58 : memref<128xi32, #tpu.memory_space<vmem>>) semaphore(%arg10 : memref<!tpu.dma_semaphore, #tpu.memory_space<semaphore_mem>>)
    %dma_wait3A = arith.constant 0 : i32
    %dma_wait3A_62 = arith.constant 0 : i32
    %dma_wait3A_63 = arith.constant 0 : i32
    %dma_wait3A_64 = tpu.memref_slice %arg9[%dma_wait3A_62, %dma_wait3A_63] : memref<768x128xf32, #tpu.memory_space<vmem>> -> memref<128x128xf32, #tpu.memory_space<vmem>>
    %dma_wait3A_65 = arith.constant 0 : i32
    %dma_wait3A_66 = tpu.memref_slice %arg8[%dma_wait3A, %dma_wait3A_65] : memref<6x128xi32, #tpu.memory_space<vmem>> -> memref<1x128xi32, #tpu.memory_space<vmem>>
    %dma_wait3A_67 = tpu.memref_squeeze %dma_wait3A_66 : memref<1x128xi32, #tpu.memory_space<vmem>> -> memref<128xi32, #tpu.memory_space<vmem>>
    %dma_wait3A_68 = arith.constant 0 : i32
    %dma_wait3A_69 = arith.constant 0 : i32
    %dma_wait3A_70 = tpu.memref_slice %arg2[%dma_wait3A_68, %dma_wait3A_69] : memref<50176x128xf32, #tpu.memory_space<hbm>> -> memref<50176x128xf32, #tpu.memory_space<hbm>>
    tpu.wait_indirect_dma semaphore(%arg10 : memref<!tpu.dma_semaphore, #tpu.memory_space<semaphore_mem>>) src(%dma_wait3A_70 : memref<50176x128xf32, #tpu.memory_space<hbm>>) dst(%dma_wait3A_64 : memref<128x128xf32, #tpu.memory_space<vmem>>)
    %dma_wait3A_71 = arith.constant 1 : i32
    %dma_wait3A_72 = arith.constant 128 : i32
    %dma_wait3A_73 = arith.constant 0 : i32
    %dma_wait3A_74 = tpu.memref_slice %arg9[%dma_wait3A_72, %dma_wait3A_73] : memref<768x128xf32, #tpu.memory_space<vmem>> -> memref<128x128xf32, #tpu.memory_space<vmem>>
    %dma_wait3A_75 = arith.constant 0 : i32
    %dma_wait3A_76 = tpu.memref_slice %arg8[%dma_wait3A_71, %dma_wait3A_75] : memref<6x128xi32, #tpu.memory_space<vmem>> -> memref<1x128xi32, #tpu.memory_space<vmem>>
    %dma_wait3A_77 = tpu.memref_squeeze %dma_wait3A_76 : memref<1x128xi32, #tpu.memory_space<vmem>> -> memref<128xi32, #tpu.memory_space<vmem>>
    %dma_wait3A_78 = arith.constant 0 : i32
    %dma_wait3A_79 = arith.constant 0 : i32
    %dma_wait3A_80 = tpu.memref_slice %arg2[%dma_wait3A_78, %dma_wait3A_79] : memref<50176x128xf32, #tpu.memory_space<hbm>> -> memref<50176x128xf32, #tpu.memory_space<hbm>>
    tpu.wait_indirect_dma semaphore(%arg10 : memref<!tpu.dma_semaphore, #tpu.memory_space<semaphore_mem>>) src(%dma_wait3A_80 : memref<50176x128xf32, #tpu.memory_space<hbm>>) dst(%dma_wait3A_74 : memref<128x128xf32, #tpu.memory_space<vmem>>)
    %dma_wait3A_81 = arith.constant 2 : i32
    %dma_wait3A_82 = arith.constant 256 : i32
    %dma_wait3A_83 = arith.constant 0 : i32
    %dma_wait3A_84 = tpu.memref_slice %arg9[%dma_wait3A_82, %dma_wait3A_83] : memref<768x128xf32, #tpu.memory_space<vmem>> -> memref<128x128xf32, #tpu.memory_space<vmem>>
    %dma_wait3A_85 = arith.constant 0 : i32
    %dma_wait3A_86 = tpu.memref_slice %arg8[%dma_wait3A_81, %dma_wait3A_85] : memref<6x128xi32, #tpu.memory_space<vmem>> -> memref<1x128xi32, #tpu.memory_space<vmem>>
    %dma_wait3A_87 = tpu.memref_squeeze %dma_wait3A_86 : memref<1x128xi32, #tpu.memory_space<vmem>> -> memref<128xi32, #tpu.memory_space<vmem>>
    %dma_wait3A_88 = arith.constant 0 : i32
    %dma_wait3A_89 = arith.constant 0 : i32
    %dma_wait3A_90 = tpu.memref_slice %arg2[%dma_wait3A_88, %dma_wait3A_89] : memref<50176x128xf32, #tpu.memory_space<hbm>> -> memref<50176x128xf32, #tpu.memory_space<hbm>>
    tpu.wait_indirect_dma semaphore(%arg10 : memref<!tpu.dma_semaphore, #tpu.memory_space<semaphore_mem>>) src(%dma_wait3A_90 : memref<50176x128xf32, #tpu.memory_space<hbm>>) dst(%dma_wait3A_84 : memref<128x128xf32, #tpu.memory_space<vmem>>)
    %dma_wait3A_91 = arith.constant 3 : i32
    %dma_wait3A_92 = arith.constant 384 : i32
    %dma_wait3A_93 = arith.constant 0 : i32
    %dma_wait3A_94 = tpu.memref_slice %arg9[%dma_wait3A_92, %dma_wait3A_93] : memref<768x128xf32, #tpu.memory_space<vmem>> -> memref<128x128xf32, #tpu.memory_space<vmem>>
    %dma_wait3A_95 = arith.constant 0 : i32
    %dma_wait3A_96 = tpu.memref_slice %arg8[%dma_wait3A_91, %dma_wait3A_95] : memref<6x128xi32, #tpu.memory_space<vmem>> -> memref<1x128xi32, #tpu.memory_space<vmem>>
    %dma_wait3A_97 = tpu.memref_squeeze %dma_wait3A_96 : memref<1x128xi32, #tpu.memory_space<vmem>> -> memref<128xi32, #tpu.memory_space<vmem>>
    %dma_wait3A_98 = arith.constant 0 : i32
    %dma_wait3A_99 = arith.constant 0 : i32
    %dma_wait3A_100 = tpu.memref_slice %arg2[%dma_wait3A_98, %dma_wait3A_99] : memref<50176x128xf32, #tpu.memory_space<hbm>> -> memref<50176x128xf32, #tpu.memory_space<hbm>>
    tpu.wait_indirect_dma semaphore(%arg10 : memref<!tpu.dma_semaphore, #tpu.memory_space<semaphore_mem>>) src(%dma_wait3A_100 : memref<50176x128xf32, #tpu.memory_space<hbm>>) dst(%dma_wait3A_94 : memref<128x128xf32, #tpu.memory_space<vmem>>)
    %dma_wait3A_101 = arith.constant 4 : i32
    %dma_wait3A_102 = arith.constant 512 : i32
    %dma_wait3A_103 = arith.constant 0 : i32
    %dma_wait3A_104 = tpu.memref_slice %arg9[%dma_wait3A_102, %dma_wait3A_103] : memref<768x128xf32, #tpu.memory_space<vmem>> -> memref<128x128xf32, #tpu.memory_space<vmem>>
    %dma_wait3A_105 = arith.constant 0 : i32
    %dma_wait3A_106 = tpu.memref_slice %arg8[%dma_wait3A_101, %dma_wait3A_105] : memref<6x128xi32, #tpu.memory_space<vmem>> -> memref<1x128xi32, #tpu.memory_space<vmem>>
    %dma_wait3A_107 = tpu.memref_squeeze %dma_wait3A_106 : memref<1x128xi32, #tpu.memory_space<vmem>> -> memref<128xi32, #tpu.memory_space<vmem>>
    %dma_wait3A_108 = arith.constant 0 : i32
    %dma_wait3A_109 = arith.constant 0 : i32
    %dma_wait3A_110 = tpu.memref_slice %arg2[%dma_wait3A_108, %dma_wait3A_109] : memref<50176x128xf32, #tpu.memory_space<hbm>> -> memref<50176x128xf32, #tpu.memory_space<hbm>>
    tpu.wait_indirect_dma semaphore(%arg10 : memref<!tpu.dma_semaphore, #tpu.memory_space<semaphore_mem>>) src(%dma_wait3A_110 : memref<50176x128xf32, #tpu.memory_space<hbm>>) dst(%dma_wait3A_104 : memref<128x128xf32, #tpu.memory_space<vmem>>)
    %dma_wait3A_111 = arith.constant 5 : i32
    %dma_wait3A_112 = arith.constant 640 : i32
    %dma_wait3A_113 = arith.constant 0 : i32
    %dma_wait3A_114 = tpu.memref_slice %arg9[%dma_wait3A_112, %dma_wait3A_113] : memref<768x128xf32, #tpu.memory_space<vmem>> -> memref<128x128xf32, #tpu.memory_space<vmem>>
    %dma_wait3A_115 = arith.constant 0 : i32
    %dma_wait3A_116 = tpu.memref_slice %arg8[%dma_wait3A_111, %dma_wait3A_115] : memref<6x128xi32, #tpu.memory_space<vmem>> -> memref<1x128xi32, #tpu.memory_space<vmem>>
    %dma_wait3A_117 = tpu.memref_squeeze %dma_wait3A_116 : memref<1x128xi32, #tpu.memory_space<vmem>> -> memref<128xi32, #tpu.memory_space<vmem>>
    %dma_wait3A_118 = arith.constant 0 : i32
    %dma_wait3A_119 = arith.constant 0 : i32
    %dma_wait3A_120 = tpu.memref_slice %arg2[%dma_wait3A_118, %dma_wait3A_119] : memref<50176x128xf32, #tpu.memory_space<hbm>> -> memref<50176x128xf32, #tpu.memory_space<hbm>>
    tpu.wait_indirect_dma semaphore(%arg10 : memref<!tpu.dma_semaphore, #tpu.memory_space<semaphore_mem>>) src(%dma_wait3A_120 : memref<50176x128xf32, #tpu.memory_space<hbm>>) dst(%dma_wait3A_114 : memref<128x128xf32, #tpu.memory_space<vmem>>)
    "tpu.region"() ({
      %run_scoped3A = tpu.sem_alloc : memref<!tpu.dma_semaphore, #tpu.memory_space<semaphore_mem>>
      %dma_start3A_241 = arith.constant 0 : i32
      %dma_start3A_242 = tpu.memref_slice %arg6[%mul3A_2, %dma_start3A_241] : memref<24576x128xf32, #tpu.memory_space<hbm>> -> memref<768x128xf32, #tpu.memory_space<hbm>>
      %dma_start3A_243 = arith.constant 0 : i32
      %dma_start3A_244 = tpu.memref_slice %arg6[%mul3A_2, %dma_start3A_243] : memref<24576x128xf32, #tpu.memory_space<hbm>> -> memref<768x128xf32, #tpu.memory_space<hbm>>
      tpu.enqueue_dma source(%arg9 : memref<768x128xf32, #tpu.memory_space<vmem>>) target(%dma_start3A_244 : memref<768x128xf32, #tpu.memory_space<hbm>>) target_semaphore(%run_scoped3A : memref<!tpu.dma_semaphore, #tpu.memory_space<semaphore_mem>>)
      %dma_wait3A_245 = arith.constant 0 : i32
      %dma_wait3A_246 = tpu.memref_slice %arg6[%mul3A_2, %dma_wait3A_245] : memref<24576x128xf32, #tpu.memory_space<hbm>> -> memref<768x128xf32, #tpu.memory_space<hbm>>
      %dma_wait3A_247 = arith.constant 0 : i32
      %dma_wait3A_248 = tpu.memref_slice %arg6[%mul3A_2, %dma_wait3A_247] : memref<24576x128xf32, #tpu.memory_space<hbm>> -> memref<768x128xf32, #tpu.memory_space<hbm>>
      tpu.wait_dma2 semaphore(%run_scoped3A : memref<!tpu.dma_semaphore, #tpu.memory_space<semaphore_mem>>) src(%arg9 : memref<768x128xf32, #tpu.memory_space<vmem>>) dst(%dma_wait3A_248 : memref<768x128xf32, #tpu.memory_space<hbm>>)
      tpu.yield
    }) : () -> ()
    "tpu.region"() ({
      %run_scoped3A = tpu.sem_alloc : memref<!tpu.dma_semaphore, #tpu.memory_space<semaphore_mem>>
      %dma_start3A_241 = arith.constant 0 : i32
      %dma_start3A_242 = arith.constant 0 : i32
      %dma_start3A_243 = tpu.memref_slice %arg5[%add3A, %dma_start3A_241, %dma_start3A_242] : memref<32x6x128xi32, #tpu.memory_space<hbm>> -> memref<1x6x128xi32, #tpu.memory_space<hbm>>
      %dma_start3A_244 = tpu.memref_squeeze %dma_start3A_243 : memref<1x6x128xi32, #tpu.memory_space<hbm>> -> memref<6x128xi32, #tpu.memory_space<hbm>>
      %dma_start3A_245 = arith.constant 0 : i32
      %dma_start3A_246 = arith.constant 0 : i32
      %dma_start3A_247 = tpu.memref_slice %arg5[%add3A, %dma_start3A_245, %dma_start3A_246] : memref<32x6x128xi32, #tpu.memory_space<hbm>> -> memref<1x6x128xi32, #tpu.memory_space<hbm>>
      %dma_start3A_248 = tpu.memref_squeeze %dma_start3A_247 : memref<1x6x128xi32, #tpu.memory_space<hbm>> -> memref<6x128xi32, #tpu.memory_space<hbm>>
      tpu.enqueue_dma source(%dma_start3A_248 : memref<6x128xi32, #tpu.memory_space<hbm>>) target(%arg8 : memref<6x128xi32, #tpu.memory_space<vmem>>) target_semaphore(%run_scoped3A : memref<!tpu.dma_semaphore, #tpu.memory_space<semaphore_mem>>)
      %dma_wait3A_249 = arith.constant 0 : i32
      %dma_wait3A_250 = arith.constant 0 : i32
      %dma_wait3A_251 = tpu.memref_slice %arg5[%add3A, %dma_wait3A_249, %dma_wait3A_250] : memref<32x6x128xi32, #tpu.memory_space<hbm>> -> memref<1x6x128xi32, #tpu.memory_space<hbm>>
      %dma_wait3A_252 = tpu.memref_squeeze %dma_wait3A_251 : memref<1x6x128xi32, #tpu.memory_space<hbm>> -> memref<6x128xi32, #tpu.memory_space<hbm>>
      %dma_wait3A_253 = arith.constant 0 : i32
      %dma_wait3A_254 = arith.constant 0 : i32
      %dma_wait3A_255 = tpu.memref_slice %arg5[%add3A, %dma_wait3A_253, %dma_wait3A_254] : memref<32x6x128xi32, #tpu.memory_space<hbm>> -> memref<1x6x128xi32, #tpu.memory_space<hbm>>
      %dma_wait3A_256 = tpu.memref_squeeze %dma_wait3A_255 : memref<1x6x128xi32, #tpu.memory_space<hbm>> -> memref<6x128xi32, #tpu.memory_space<hbm>>
      tpu.wait_dma2 semaphore(%run_scoped3A : memref<!tpu.dma_semaphore, #tpu.memory_space<semaphore_mem>>) src(%dma_wait3A_256 : memref<6x128xi32, #tpu.memory_space<hbm>>) dst(%arg8 : memref<6x128xi32, #tpu.memory_space<vmem>>)
      tpu.yield
    }) : () -> ()
    %dma_start3A_121 = arith.constant 0 : i32
    %dma_start3A_122 = arith.constant 0 : i32
    %dma_start3A_123 = arith.constant 0 : i32
    %dma_start3A_124 = tpu.memref_slice %arg9[%dma_start3A_122, %dma_start3A_123] : memref<768x128xf32, #tpu.memory_space<vmem>> -> memref<128x128xf32, #tpu.memory_space<vmem>>
    %dma_start3A_125 = arith.constant 0 : i32
    %dma_start3A_126 = tpu.memref_slice %arg8[%dma_start3A_121, %dma_start3A_125] : memref<6x128xi32, #tpu.memory_space<vmem>> -> memref<1x128xi32, #tpu.memory_space<vmem>>
    %dma_start3A_127 = tpu.memref_squeeze %dma_start3A_126 : memref<1x128xi32, #tpu.memory_space<vmem>> -> memref<128xi32, #tpu.memory_space<vmem>>
    %dma_start3A_128 = arith.constant 0 : i32
    %dma_start3A_129 = arith.constant 0 : i32
    %dma_start3A_130 = tpu.memref_slice %arg3[%dma_start3A_128, %dma_start3A_129] : memref<500736x128xf32, #tpu.memory_space<hbm>> -> memref<500736x128xf32, #tpu.memory_space<hbm>>
    tpu.enqueue_indirect_dma source(%dma_start3A_130 : memref<500736x128xf32, #tpu.memory_space<hbm>>) target(%dma_start3A_124 : memref<128x128xf32, #tpu.memory_space<vmem>>) offsets(%dma_start3A_127 : memref<128xi32, #tpu.memory_space<vmem>>) semaphore(%arg10 : memref<!tpu.dma_semaphore, #tpu.memory_space<semaphore_mem>>)
    %dma_start3A_131 = arith.constant 1 : i32
    %dma_start3A_132 = arith.constant 128 : i32
    %dma_start3A_133 = arith.constant 0 : i32
    %dma_start3A_134 = tpu.memref_slice %arg9[%dma_start3A_132, %dma_start3A_133] : memref<768x128xf32, #tpu.memory_space<vmem>> -> memref<128x128xf32, #tpu.memory_space<vmem>>
    %dma_start3A_135 = arith.constant 0 : i32
    %dma_start3A_136 = tpu.memref_slice %arg8[%dma_start3A_131, %dma_start3A_135] : memref<6x128xi32, #tpu.memory_space<vmem>> -> memref<1x128xi32, #tpu.memory_space<vmem>>
    %dma_start3A_137 = tpu.memref_squeeze %dma_start3A_136 : memref<1x128xi32, #tpu.memory_space<vmem>> -> memref<128xi32, #tpu.memory_space<vmem>>
    %dma_start3A_138 = arith.constant 0 : i32
    %dma_start3A_139 = arith.constant 0 : i32
    %dma_start3A_140 = tpu.memref_slice %arg3[%dma_start3A_138, %dma_start3A_139] : memref<500736x128xf32, #tpu.memory_space<hbm>> -> memref<500736x128xf32, #tpu.memory_space<hbm>>
    tpu.enqueue_indirect_dma source(%dma_start3A_140 : memref<500736x128xf32, #tpu.memory_space<hbm>>) target(%dma_start3A_134 : memref<128x128xf32, #tpu.memory_space<vmem>>) offsets(%dma_start3A_137 : memref<128xi32, #tpu.memory_space<vmem>>) semaphore(%arg10 : memref<!tpu.dma_semaphore, #tpu.memory_space<semaphore_mem>>)
    %dma_start3A_141 = arith.constant 2 : i32
    %dma_start3A_142 = arith.constant 256 : i32
    %dma_start3A_143 = arith.constant 0 : i32
    %dma_start3A_144 = tpu.memref_slice %arg9[%dma_start3A_142, %dma_start3A_143] : memref<768x128xf32, #tpu.memory_space<vmem>> -> memref<128x128xf32, #tpu.memory_space<vmem>>
    %dma_start3A_145 = arith.constant 0 : i32
    %dma_start3A_146 = tpu.memref_slice %arg8[%dma_start3A_141, %dma_start3A_145] : memref<6x128xi32, #tpu.memory_space<vmem>> -> memref<1x128xi32, #tpu.memory_space<vmem>>
    %dma_start3A_147 = tpu.memref_squeeze %dma_start3A_146 : memref<1x128xi32, #tpu.memory_space<vmem>> -> memref<128xi32, #tpu.memory_space<vmem>>
    %dma_start3A_148 = arith.constant 0 : i32
    %dma_start3A_149 = arith.constant 0 : i32
    %dma_start3A_150 = tpu.memref_slice %arg3[%dma_start3A_148, %dma_start3A_149] : memref<500736x128xf32, #tpu.memory_space<hbm>> -> memref<500736x128xf32, #tpu.memory_space<hbm>>
    tpu.enqueue_indirect_dma source(%dma_start3A_150 : memref<500736x128xf32, #tpu.memory_space<hbm>>) target(%dma_start3A_144 : memref<128x128xf32, #tpu.memory_space<vmem>>) offsets(%dma_start3A_147 : memref<128xi32, #tpu.memory_space<vmem>>) semaphore(%arg10 : memref<!tpu.dma_semaphore, #tpu.memory_space<semaphore_mem>>)
    %dma_start3A_151 = arith.constant 3 : i32
    %dma_start3A_152 = arith.constant 384 : i32
    %dma_start3A_153 = arith.constant 0 : i32
    %dma_start3A_154 = tpu.memref_slice %arg9[%dma_start3A_152, %dma_start3A_153] : memref<768x128xf32, #tpu.memory_space<vmem>> -> memref<128x128xf32, #tpu.memory_space<vmem>>
    %dma_start3A_155 = arith.constant 0 : i32
    %dma_start3A_156 = tpu.memref_slice %arg8[%dma_start3A_151, %dma_start3A_155] : memref<6x128xi32, #tpu.memory_space<vmem>> -> memref<1x128xi32, #tpu.memory_space<vmem>>
    %dma_start3A_157 = tpu.memref_squeeze %dma_start3A_156 : memref<1x128xi32, #tpu.memory_space<vmem>> -> memref<128xi32, #tpu.memory_space<vmem>>
    %dma_start3A_158 = arith.constant 0 : i32
    %dma_start3A_159 = arith.constant 0 : i32
    %dma_start3A_160 = tpu.memref_slice %arg3[%dma_start3A_158, %dma_start3A_159] : memref<500736x128xf32, #tpu.memory_space<hbm>> -> memref<500736x128xf32, #tpu.memory_space<hbm>>
    tpu.enqueue_indirect_dma source(%dma_start3A_160 : memref<500736x128xf32, #tpu.memory_space<hbm>>) target(%dma_start3A_154 : memref<128x128xf32, #tpu.memory_space<vmem>>) offsets(%dma_start3A_157 : memref<128xi32, #tpu.memory_space<vmem>>) semaphore(%arg10 : memref<!tpu.dma_semaphore, #tpu.memory_space<semaphore_mem>>)
    %dma_start3A_161 = arith.constant 4 : i32
    %dma_start3A_162 = arith.constant 512 : i32
    %dma_start3A_163 = arith.constant 0 : i32
    %dma_start3A_164 = tpu.memref_slice %arg9[%dma_start3A_162, %dma_start3A_163] : memref<768x128xf32, #tpu.memory_space<vmem>> -> memref<128x128xf32, #tpu.memory_space<vmem>>
    %dma_start3A_165 = arith.constant 0 : i32
    %dma_start3A_166 = tpu.memref_slice %arg8[%dma_start3A_161, %dma_start3A_165] : memref<6x128xi32, #tpu.memory_space<vmem>> -> memref<1x128xi32, #tpu.memory_space<vmem>>
    %dma_start3A_167 = tpu.memref_squeeze %dma_start3A_166 : memref<1x128xi32, #tpu.memory_space<vmem>> -> memref<128xi32, #tpu.memory_space<vmem>>
    %dma_start3A_168 = arith.constant 0 : i32
    %dma_start3A_169 = arith.constant 0 : i32
    %dma_start3A_170 = tpu.memref_slice %arg3[%dma_start3A_168, %dma_start3A_169] : memref<500736x128xf32, #tpu.memory_space<hbm>> -> memref<500736x128xf32, #tpu.memory_space<hbm>>
    tpu.enqueue_indirect_dma source(%dma_start3A_170 : memref<500736x128xf32, #tpu.memory_space<hbm>>) target(%dma_start3A_164 : memref<128x128xf32, #tpu.memory_space<vmem>>) offsets(%dma_start3A_167 : memref<128xi32, #tpu.memory_space<vmem>>) semaphore(%arg10 : memref<!tpu.dma_semaphore, #tpu.memory_space<semaphore_mem>>)
    %dma_start3A_171 = arith.constant 5 : i32
    %dma_start3A_172 = arith.constant 640 : i32
    %dma_start3A_173 = arith.constant 0 : i32
    %dma_start3A_174 = tpu.memref_slice %arg9[%dma_start3A_172, %dma_start3A_173] : memref<768x128xf32, #tpu.memory_space<vmem>> -> memref<128x128xf32, #tpu.memory_space<vmem>>
    %dma_start3A_175 = arith.constant 0 : i32
    %dma_start3A_176 = tpu.memref_slice %arg8[%dma_start3A_171, %dma_start3A_175] : memref<6x128xi32, #tpu.memory_space<vmem>> -> memref<1x128xi32, #tpu.memory_space<vmem>>
    %dma_start3A_177 = tpu.memref_squeeze %dma_start3A_176 : memref<1x128xi32, #tpu.memory_space<vmem>> -> memref<128xi32, #tpu.memory_space<vmem>>
    %dma_start3A_178 = arith.constant 0 : i32
    %dma_start3A_179 = arith.constant 0 : i32
    %dma_start3A_180 = tpu.memref_slice %arg3[%dma_start3A_178, %dma_start3A_179] : memref<500736x128xf32, #tpu.memory_space<hbm>> -> memref<500736x128xf32, #tpu.memory_space<hbm>>
    tpu.enqueue_indirect_dma source(%dma_start3A_180 : memref<500736x128xf32, #tpu.memory_space<hbm>>) target(%dma_start3A_174 : memref<128x128xf32, #tpu.memory_space<vmem>>) offsets(%dma_start3A_177 : memref<128xi32, #tpu.memory_space<vmem>>) semaphore(%arg10 : memref<!tpu.dma_semaphore, #tpu.memory_space<semaphore_mem>>)
    %dma_wait3A_181 = arith.constant 0 : i32
    %dma_wait3A_182 = arith.constant 0 : i32
    %dma_wait3A_183 = arith.constant 0 : i32
    %dma_wait3A_184 = tpu.memref_slice %arg9[%dma_wait3A_182, %dma_wait3A_183] : memref<768x128xf32, #tpu.memory_space<vmem>> -> memref<128x128xf32, #tpu.memory_space<vmem>>
    %dma_wait3A_185 = arith.constant 0 : i32
    %dma_wait3A_186 = tpu.memref_slice %arg8[%dma_wait3A_181, %dma_wait3A_185] : memref<6x128xi32, #tpu.memory_space<vmem>> -> memref<1x128xi32, #tpu.memory_space<vmem>>
    %dma_wait3A_187 = tpu.memref_squeeze %dma_wait3A_186 : memref<1x128xi32, #tpu.memory_space<vmem>> -> memref<128xi32, #tpu.memory_space<vmem>>
    %dma_wait3A_188 = arith.constant 0 : i32
    %dma_wait3A_189 = arith.constant 0 : i32
    %dma_wait3A_190 = tpu.memref_slice %arg3[%dma_wait3A_188, %dma_wait3A_189] : memref<500736x128xf32, #tpu.memory_space<hbm>> -> memref<500736x128xf32, #tpu.memory_space<hbm>>
    tpu.wait_indirect_dma semaphore(%arg10 : memref<!tpu.dma_semaphore, #tpu.memory_space<semaphore_mem>>) src(%dma_wait3A_190 : memref<500736x128xf32, #tpu.memory_space<hbm>>) dst(%dma_wait3A_184 : memref<128x128xf32, #tpu.memory_space<vmem>>)
    %dma_wait3A_191 = arith.constant 1 : i32
    %dma_wait3A_192 = arith.constant 128 : i32
    %dma_wait3A_193 = arith.constant 0 : i32
    %dma_wait3A_194 = tpu.memref_slice %arg9[%dma_wait3A_192, %dma_wait3A_193] : memref<768x128xf32, #tpu.memory_space<vmem>> -> memref<128x128xf32, #tpu.memory_space<vmem>>
    %dma_wait3A_195 = arith.constant 0 : i32
    %dma_wait3A_196 = tpu.memref_slice %arg8[%dma_wait3A_191, %dma_wait3A_195] : memref<6x128xi32, #tpu.memory_space<vmem>> -> memref<1x128xi32, #tpu.memory_space<vmem>>
    %dma_wait3A_197 = tpu.memref_squeeze %dma_wait3A_196 : memref<1x128xi32, #tpu.memory_space<vmem>> -> memref<128xi32, #tpu.memory_space<vmem>>
    %dma_wait3A_198 = arith.constant 0 : i32
    %dma_wait3A_199 = arith.constant 0 : i32
    %dma_wait3A_200 = tpu.memref_slice %arg3[%dma_wait3A_198, %dma_wait3A_199] : memref<500736x128xf32, #tpu.memory_space<hbm>> -> memref<500736x128xf32, #tpu.memory_space<hbm>>
    tpu.wait_indirect_dma semaphore(%arg10 : memref<!tpu.dma_semaphore, #tpu.memory_space<semaphore_mem>>) src(%dma_wait3A_200 : memref<500736x128xf32, #tpu.memory_space<hbm>>) dst(%dma_wait3A_194 : memref<128x128xf32, #tpu.memory_space<vmem>>)
    %dma_wait3A_201 = arith.constant 2 : i32
    %dma_wait3A_202 = arith.constant 256 : i32
    %dma_wait3A_203 = arith.constant 0 : i32
    %dma_wait3A_204 = tpu.memref_slice %arg9[%dma_wait3A_202, %dma_wait3A_203] : memref<768x128xf32, #tpu.memory_space<vmem>> -> memref<128x128xf32, #tpu.memory_space<vmem>>
    %dma_wait3A_205 = arith.constant 0 : i32
    %dma_wait3A_206 = tpu.memref_slice %arg8[%dma_wait3A_201, %dma_wait3A_205] : memref<6x128xi32, #tpu.memory_space<vmem>> -> memref<1x128xi32, #tpu.memory_space<vmem>>
    %dma_wait3A_207 = tpu.memref_squeeze %dma_wait3A_206 : memref<1x128xi32, #tpu.memory_space<vmem>> -> memref<128xi32, #tpu.memory_space<vmem>>
    %dma_wait3A_208 = arith.constant 0 : i32
    %dma_wait3A_209 = arith.constant 0 : i32
    %dma_wait3A_210 = tpu.memref_slice %arg3[%dma_wait3A_208, %dma_wait3A_209] : memref<500736x128xf32, #tpu.memory_space<hbm>> -> memref<500736x128xf32, #tpu.memory_space<hbm>>
    tpu.wait_indirect_dma semaphore(%arg10 : memref<!tpu.dma_semaphore, #tpu.memory_space<semaphore_mem>>) src(%dma_wait3A_210 : memref<500736x128xf32, #tpu.memory_space<hbm>>) dst(%dma_wait3A_204 : memref<128x128xf32, #tpu.memory_space<vmem>>)
    %dma_wait3A_211 = arith.constant 3 : i32
    %dma_wait3A_212 = arith.constant 384 : i32
    %dma_wait3A_213 = arith.constant 0 : i32
    %dma_wait3A_214 = tpu.memref_slice %arg9[%dma_wait3A_212, %dma_wait3A_213] : memref<768x128xf32, #tpu.memory_space<vmem>> -> memref<128x128xf32, #tpu.memory_space<vmem>>
    %dma_wait3A_215 = arith.constant 0 : i32
    %dma_wait3A_216 = tpu.memref_slice %arg8[%dma_wait3A_211, %dma_wait3A_215] : memref<6x128xi32, #tpu.memory_space<vmem>> -> memref<1x128xi32, #tpu.memory_space<vmem>>
    %dma_wait3A_217 = tpu.memref_squeeze %dma_wait3A_216 : memref<1x128xi32, #tpu.memory_space<vmem>> -> memref<128xi32, #tpu.memory_space<vmem>>
    %dma_wait3A_218 = arith.constant 0 : i32
    %dma_wait3A_219 = arith.constant 0 : i32
    %dma_wait3A_220 = tpu.memref_slice %arg3[%dma_wait3A_218, %dma_wait3A_219] : memref<500736x128xf32, #tpu.memory_space<hbm>> -> memref<500736x128xf32, #tpu.memory_space<hbm>>
    tpu.wait_indirect_dma semaphore(%arg10 : memref<!tpu.dma_semaphore, #tpu.memory_space<semaphore_mem>>) src(%dma_wait3A_220 : memref<500736x128xf32, #tpu.memory_space<hbm>>) dst(%dma_wait3A_214 : memref<128x128xf32, #tpu.memory_space<vmem>>)
    %dma_wait3A_221 = arith.constant 4 : i32
    %dma_wait3A_222 = arith.constant 512 : i32
    %dma_wait3A_223 = arith.constant 0 : i32
    %dma_wait3A_224 = tpu.memref_slice %arg9[%dma_wait3A_222, %dma_wait3A_223] : memref<768x128xf32, #tpu.memory_space<vmem>> -> memref<128x128xf32, #tpu.memory_space<vmem>>
    %dma_wait3A_225 = arith.constant 0 : i32
    %dma_wait3A_226 = tpu.memref_slice %arg8[%dma_wait3A_221, %dma_wait3A_225] : memref<6x128xi32, #tpu.memory_space<vmem>> -> memref<1x128xi32, #tpu.memory_space<vmem>>
    %dma_wait3A_227 = tpu.memref_squeeze %dma_wait3A_226 : memref<1x128xi32, #tpu.memory_space<vmem>> -> memref<128xi32, #tpu.memory_space<vmem>>
    %dma_wait3A_228 = arith.constant 0 : i32
    %dma_wait3A_229 = arith.constant 0 : i32
    %dma_wait3A_230 = tpu.memref_slice %arg3[%dma_wait3A_228, %dma_wait3A_229] : memref<500736x128xf32, #tpu.memory_space<hbm>> -> memref<500736x128xf32, #tpu.memory_space<hbm>>
    tpu.wait_indirect_dma semaphore(%arg10 : memref<!tpu.dma_semaphore, #tpu.memory_space<semaphore_mem>>) src(%dma_wait3A_230 : memref<500736x128xf32, #tpu.memory_space<hbm>>) dst(%dma_wait3A_224 : memref<128x128xf32, #tpu.memory_space<vmem>>)
    %dma_wait3A_231 = arith.constant 5 : i32
    %dma_wait3A_232 = arith.constant 640 : i32
    %dma_wait3A_233 = arith.constant 0 : i32
    %dma_wait3A_234 = tpu.memref_slice %arg9[%dma_wait3A_232, %dma_wait3A_233] : memref<768x128xf32, #tpu.memory_space<vmem>> -> memref<128x128xf32, #tpu.memory_space<vmem>>
    %dma_wait3A_235 = arith.constant 0 : i32
    %dma_wait3A_236 = tpu.memref_slice %arg8[%dma_wait3A_231, %dma_wait3A_235] : memref<6x128xi32, #tpu.memory_space<vmem>> -> memref<1x128xi32, #tpu.memory_space<vmem>>
    %dma_wait3A_237 = tpu.memref_squeeze %dma_wait3A_236 : memref<1x128xi32, #tpu.memory_space<vmem>> -> memref<128xi32, #tpu.memory_space<vmem>>
    %dma_wait3A_238 = arith.constant 0 : i32
    %dma_wait3A_239 = arith.constant 0 : i32
    %dma_wait3A_240 = tpu.memref_slice %arg3[%dma_wait3A_238, %dma_wait3A_239] : memref<500736x128xf32, #tpu.memory_space<hbm>> -> memref<500736x128xf32, #tpu.memory_space<hbm>>
    tpu.wait_indirect_dma semaphore(%arg10 : memref<!tpu.dma_semaphore, #tpu.memory_space<semaphore_mem>>) src(%dma_wait3A_240 : memref<500736x128xf32, #tpu.memory_space<hbm>>) dst(%dma_wait3A_234 : memref<128x128xf32, #tpu.memory_space<vmem>>)
    "tpu.region"() ({
      %run_scoped3A = tpu.sem_alloc : memref<!tpu.dma_semaphore, #tpu.memory_space<semaphore_mem>>
      %dma_start3A_241 = arith.constant 0 : i32
      %dma_start3A_242 = tpu.memref_slice %arg7[%mul3A_2, %dma_start3A_241] : memref<24576x128xf32, #tpu.memory_space<hbm>> -> memref<768x128xf32, #tpu.memory_space<hbm>>
      %dma_start3A_243 = arith.constant 0 : i32
      %dma_start3A_244 = tpu.memref_slice %arg7[%mul3A_2, %dma_start3A_243] : memref<24576x128xf32, #tpu.memory_space<hbm>> -> memref<768x128xf32, #tpu.memory_space<hbm>>
      tpu.enqueue_dma source(%arg9 : memref<768x128xf32, #tpu.memory_space<vmem>>) target(%dma_start3A_244 : memref<768x128xf32, #tpu.memory_space<hbm>>) target_semaphore(%run_scoped3A : memref<!tpu.dma_semaphore, #tpu.memory_space<semaphore_mem>>)
      %dma_wait3A_245 = arith.constant 0 : i32
      %dma_wait3A_246 = tpu.memref_slice %arg7[%mul3A_2, %dma_wait3A_245] : memref<24576x128xf32, #tpu.memory_space<hbm>> -> memref<768x128xf32, #tpu.memory_space<hbm>>
      %dma_wait3A_247 = arith.constant 0 : i32
      %dma_wait3A_248 = tpu.memref_slice %arg7[%mul3A_2, %dma_wait3A_247] : memref<24576x128xf32, #tpu.memory_space<hbm>> -> memref<768x128xf32, #tpu.memory_space<hbm>>
      tpu.wait_dma2 semaphore(%run_scoped3A : memref<!tpu.dma_semaphore, #tpu.memory_space<semaphore_mem>>) src(%arg9 : memref<768x128xf32, #tpu.memory_space<vmem>>) dst(%dma_wait3A_248 : memref<768x128xf32, #tpu.memory_space<hbm>>)
      tpu.yield
    }) : () -> ()
    return
  }
}

module attributes {stable_mosaic.version = 14 : i64} {
  func.func @_repack_body(%arg0: i32, %arg1: memref<64x2048xf32, #tpu.memory_space<vmem>>, %arg2: memref<1024x128xf32, #tpu.memory_space<vmem>>) attributes {dimension_semantics = [#tpu.dimension_semantics<arbitrary>], iteration_bounds = array<i64: 489>, scalar_prefetch = 0 : i64, scratch_operands = 0 : i64, tpu.core_type = #tpu.core_type<tc>, window_params = [{transform_indices = @transform_0, window_bounds = array<i64: 64, 2048>}, {transform_indices = @transform_1, window_bounds = array<i64: 1024, 128>}]} {
    %get3A = arith.constant 0 : index
    %get3A_0 = arith.constant 0 : index
    %get3A_1 = vector.load %arg1[%get3A, %get3A_0] : memref<64x2048xf32, #tpu.memory_space<vmem>>, vector<64x2048xf32>
    %transpose3A = tpu.transpose %get3A_1, [1, 0] : vector<64x2048xf32> -> vector<2048x64xf32>
    %slice3A = vector.extract_strided_slice %transpose3A {offsets = [0, 0], sizes = [1024, 64], strides = [1, 1]} : vector<2048x64xf32> to vector<1024x64xf32>
    %slice3A_2 = vector.extract_strided_slice %transpose3A {offsets = [1024, 0], sizes = [1024, 64], strides = [1, 1]} : vector<2048x64xf32> to vector<1024x64xf32>
    %concatenate3A = tpu.concatenate %slice3A, %slice3A_2 in 1 : vector<1024x64xf32>, vector<1024x64xf32> -> vector<1024x128xf32>
    %swap3A = arith.constant 0 : index
    %swap3A_3 = arith.constant 0 : index
    %swap3A_4 = vector.load %arg2[%swap3A, %swap3A_3] : memref<1024x128xf32, #tpu.memory_space<vmem>>, vector<1024x128xf32>
    tpu.vector_store %arg2[%swap3A, %swap3A_3], %concatenate3A {strides = array<i32>} : memref<1024x128xf32, #tpu.memory_space<vmem>>, vector<1024x128xf32>,
    return
  }
  func.func @transform_0(%arg0: i32) -> (i32, i32) {
    %c0_i32 = arith.constant 0 : i32
    %c0_i32_0 = arith.constant 0 : i32
    return %c0_i32, %arg0 : i32, i32
  }
  func.func @transform_1(%arg0: i32) -> (i32, i32) {
    %c0_i32 = arith.constant 0 : i32
    %c0_i32_0 = arith.constant 0 : i32
    return %arg0, %c0_i32 : i32, i32
  }
}

module attributes {stable_mosaic.version = 14 : i64} {
  func.func @_repack_body(%arg0: i32, %arg1: memref<64x2048xf32, #tpu.memory_space<vmem>>, %arg2: memref<1024x128xf32, #tpu.memory_space<vmem>>) attributes {dimension_semantics = [#tpu.dimension_semantics<arbitrary>], iteration_bounds = array<i64: 49>, scalar_prefetch = 0 : i64, scratch_operands = 0 : i64, tpu.core_type = #tpu.core_type<tc>, window_params = [{transform_indices = @transform_0, window_bounds = array<i64: 64, 2048>}, {transform_indices = @transform_1, window_bounds = array<i64: 1024, 128>}]} {
    %get3A = arith.constant 0 : index
    %get3A_0 = arith.constant 0 : index
    %get3A_1 = vector.load %arg1[%get3A, %get3A_0] : memref<64x2048xf32, #tpu.memory_space<vmem>>, vector<64x2048xf32>
    %transpose3A = tpu.transpose %get3A_1, [1, 0] : vector<64x2048xf32> -> vector<2048x64xf32>
    %slice3A = vector.extract_strided_slice %transpose3A {offsets = [0, 0], sizes = [1024, 64], strides = [1, 1]} : vector<2048x64xf32> to vector<1024x64xf32>
    %slice3A_2 = vector.extract_strided_slice %transpose3A {offsets = [1024, 0], sizes = [1024, 64], strides = [1, 1]} : vector<2048x64xf32> to vector<1024x64xf32>
    %concatenate3A = tpu.concatenate %slice3A, %slice3A_2 in 1 : vector<1024x64xf32>, vector<1024x64xf32> -> vector<1024x128xf32>
    %swap3A = arith.constant 0 : index
    %swap3A_3 = arith.constant 0 : index
    %swap3A_4 = vector.load %arg2[%swap3A, %swap3A_3] : memref<1024x128xf32, #tpu.memory_space<vmem>>, vector<1024x128xf32>
    tpu.vector_store %arg2[%swap3A, %swap3A_3], %concatenate3A {strides = array<i32>} : memref<1024x128xf32, #tpu.memory_space<vmem>>, vector<1024x128xf32>,
    return
  }
  func.func @transform_0(%arg0: i32) -> (i32, i32) {
    %c0_i32 = arith.constant 0 : i32
    %c0_i32_0 = arith.constant 0 : i32
    return %c0_i32, %arg0 : i32, i32
  }
  func.func @transform_1(%arg0: i32) -> (i32, i32) {
    %c0_i32 = arith.constant 0 : i32
    %c0_i32_0 = arith.constant 0 : i32
    return %arg0, %c0_i32 : i32, i32
  }
}

module attributes {stable_mosaic.version = 14 : i64} {
  func.func @_score_body(%arg0: i32, %arg1: memref<1x1x256xi32, #tpu.memory_space<vmem>>, %arg2: memref<1x1x256xi32, #tpu.memory_space<vmem>>, %arg3: memref<1x1x256xi32, #tpu.memory_space<vmem>>, %arg4: memref<256x128xf32, #tpu.memory_space<vmem>>, %arg5: memref<256x128xf32, #tpu.memory_space<vmem>>, %arg6: memref<4096x168xbf16, #tpu.memory_space<vmem>>, %arg7: memref<64x168xf32, #tpu.memory_space<vmem>>, %arg8: memref<1x1x256xf32, #tpu.memory_space<vmem>>, %arg9: memref<8x128xf32, #tpu.memory_space<vmem>>) attributes {dimension_semantics = [#tpu.dimension_semantics<arbitrary>], iteration_bounds = array<i64: 96>, scalar_prefetch = 0 : i64, scratch_operands = 0 : i64, tpu.core_type = #tpu.core_type<tc>, window_params = [{transform_indices = @transform_0, window_bounds = array<i64: 1, 1, 256>}, {transform_indices = @transform_1, window_bounds = array<i64: 1, 1, 256>}, {transform_indices = @transform_2, window_bounds = array<i64: 1, 1, 256>}, {transform_indices = @transform_3, window_bounds = array<i64: 256, 128>}, {transform_indices = @transform_4, window_bounds = array<i64: 256, 128>}, {pipeline_mode = #tpu.pipeline_mode<synchronous>, transform_indices = @transform_5, window_bounds = array<i64: 4096, 168>}, {pipeline_mode = #tpu.pipeline_mode<synchronous>, transform_indices = @transform_6, window_bounds = array<i64: 64, 168>}, {transform_indices = @transform_7, window_bounds = array<i64: 1, 1, 256>}, {pipeline_mode = #tpu.pipeline_mode<synchronous>, transform_indices = @transform_8, window_bounds = array<i64: 8, 128>}]} {
    %jit3A = arith.constant 16 : i32
    %div3A = arith.divsi %arg0, %jit3A : i32
    %sign3A = arith.constant 0 : i32
    %sign3A_0 = arith.cmpi sgt, %arg0, %sign3A : i32
    %sign3A_1 = arith.extui %sign3A_0 : i1 to i32
    %sign3A_2 = arith.constant 0 : i32
    %sign3A_3 = arith.cmpi slt, %arg0, %sign3A_2 : i32
    %sign3A_4 = arith.extui %sign3A_3 : i1 to i32
    %sign3A_5 = arith.subi %sign3A_1, %sign3A_4 : i32
    %sign3A_6 = arith.constant 0 : i32
    %sign3A_7 = arith.cmpi sgt, %jit3A, %sign3A_6 : i32
    %sign3A_8 = arith.extui %sign3A_7 : i1 to i32
    %sign3A_9 = arith.constant 0 : i32
    %sign3A_10 = arith.cmpi slt, %jit3A, %sign3A_9 : i32
    %sign3A_11 = arith.extui %sign3A_10 : i1 to i32
    %sign3A_12 = arith.subi %sign3A_8, %sign3A_11 : i32
    %ne3A = arith.cmpi ne, %sign3A_5, %sign3A_12 : i32
    %rem3A = arith.remsi %arg0, %jit3A : i32
    %ne3A_13 = arith.constant 0 : i32
    %ne3A_14 = arith.cmpi ne, %rem3A, %ne3A_13 : i32
    %and3A = arith.andi %ne3A, %ne3A_14 : i1
    %sub3A = arith.constant 1 : i32
    %sub3A_15 = arith.subi %div3A, %sub3A : i32
    %select_n3A = arith.select %and3A, %sub3A_15, %div3A : i32
    %get3A = arith.constant 0 : index
    %get3A_16 = arith.constant 0 : index
    %get3A_17 = arith.constant 0 : index
    %get3A_18 = vector.load %arg1[%get3A, %get3A_16, %get3A_17] : memref<1x1x256xi32, #tpu.memory_space<vmem>>, vector<1x1x256xi32>
    %get3A_19 = vector.shape_cast %get3A_18 : vector<1x1x256xi32> to vector<1x256xi32>
    %iota3A = tpu.iota {dimensions = array<i32: 0>} : vector<168x256xi32>
    %eq3A = vector.broadcast %get3A_19 : vector<1x256xi32> to vector<168x256xi32>
    %eq3A_20 = arith.cmpi eq, %eq3A, %iota3A : vector<168x256xi32>
    %convert_element_type3A = arith.extui %eq3A_20 : vector<168x256xi1> to vector<168x256xi32>
    %convert_element_type3A_21 = arith.sitofp %convert_element_type3A : vector<168x256xi32> to vector<168x256xf32>
    %get3A_22 = arith.constant 0 : index
    %get3A_23 = arith.constant 0 : index
    %get3A_24 = vector.load %arg6[%get3A_22, %get3A_23] : memref<4096x168xbf16, #tpu.memory_space<vmem>>, vector<4096x168xbf16>
    %convert_element_type3A_25 = arith.truncf %convert_element_type3A_21 : vector<168x256xf32> to vector<168x256xbf16>
    %dot_general3A = arith.constant dense<0.000000e+00> : vector<4096x256xf32>
    %dot_general3A_26 = tpu.matmul %get3A_24, %convert_element_type3A_25, %dot_general3A {dimension_numbers = #tpu.dot_dimension_numbers<[1], [0], [0], [1], [0, 0, 1, 1], [], []>, transpose_lhs_hint = false} : vector<4096x168xbf16>, vector<168x256xbf16>, vector<4096x256xf32> -> vector<4096x256xf32>
    %get3A_27 = arith.constant 0 : index
    %get3A_28 = arith.constant 0 : index
    %get3A_29 = vector.load %arg7[%get3A_27, %get3A_28] : memref<64x168xf32, #tpu.memory_space<vmem>>, vector<64x168xf32>
    %dot_general3A_30 = arith.constant dense<0.000000e+00> : vector<64x256xf32>
    %dot_general3A_31 = tpu.matmul %get3A_29, %convert_element_type3A_21, %dot_general3A_30 {dimension_numbers = #tpu.dot_dimension_numbers<[1], [0], [0], [1], [0, 0, 1, 1], [], []>, transpose_lhs_hint = false} : vector<64x168xf32>, vector<168x256xf32>, vector<64x256xf32> -> vector<64x256xf32>
    %get3A_32 = arith.constant 0 : index
    %get3A_33 = arith.constant 0 : index
    %get3A_34 = arith.constant 0 : index
    %get3A_35 = vector.load %arg2[%get3A_32, %get3A_33, %get3A_34] : memref<1x1x256xi32, #tpu.memory_space<vmem>>, vector<1x1x256xi32>
    %get3A_36 = vector.shape_cast %get3A_35 : vector<1x1x256xi32> to vector<1x256xi32>
    %jit3A_37 = arith.constant 2048 : i32
    %eq3A_38 = arith.constant 0 : i32
    %eq3A_39 = arith.cmpi eq, %jit3A_37, %eq3A_38 : i32
    %jit3A_40 = arith.constant 1 : i32
    %select_n3A_41 = arith.select %eq3A_39, %jit3A_40, %jit3A_37 : i32
    %rem3A_42 = vector.broadcast %select_n3A_41 : i32 to vector<1x256xi32>
    %rem3A_43 = arith.remsi %get3A_36, %rem3A_42 : vector<1x256xi32>
    %ne3A_44 = arith.constant 0 : i32
    %ne3A_45 = vector.broadcast %ne3A_44 : i32 to vector<1x256xi32>
    %ne3A_46 = arith.cmpi ne, %rem3A_43, %ne3A_45 : vector<1x256xi32>
    %lt3A = arith.constant 0 : i32
    %lt3A_47 = vector.broadcast %lt3A : i32 to vector<1x256xi32>
    %lt3A_48 = arith.cmpi slt, %rem3A_43, %lt3A_47 : vector<1x256xi32>
    %lt3A_49 = arith.constant 0 : i32
    %lt3A_50 = arith.cmpi slt, %select_n3A_41, %lt3A_49 : i32
    %ne3A_51 = vector.broadcast %lt3A_50 : i1 to vector<1x256xi1>
    %ne3A_52 = vector.broadcast %ne3A_51 : vector<1x256xi1> to vector<1x256xi1>
    %ne3A_53 = arith.xori %lt3A_48, %ne3A_52 : vector<1x256xi1>
    %and3A_54 = arith.andi %ne3A_53, %ne3A_46 : vector<1x256xi1>
    %add3A = vector.broadcast %select_n3A_41 : i32 to vector<1x256xi32>
    %add3A_55 = arith.addi %rem3A_43, %add3A : vector<1x256xi32>
    %select_n3A_56 = arith.select %and3A_54, %add3A_55, %rem3A_43 : vector<1x256xi1>, vector<1x256xi32>
    %ge3A = arith.constant 1024 : i32
    %ge3A_57 = vector.broadcast %ge3A : i32 to vector<1x256xi32>
    %ge3A_58 = arith.cmpi sge, %select_n3A_56, %ge3A_57 : vector<1x256xi32>
    %get3A_59 = arith.constant 0 : index
    %get3A_60 = arith.constant 0 : index
    %get3A_61 = arith.constant 0 : index
    %get3A_62 = vector.load %arg3[%get3A_59, %get3A_60, %get3A_61] : memref<1x1x256xi32, #tpu.memory_space<vmem>>, vector<1x1x256xi32>
    %get3A_63 = vector.shape_cast %get3A_62 : vector<1x1x256xi32> to vector<1x256xi32>
    %jit3A_64 = arith.constant 2048 : i32
    %eq3A_65 = arith.constant 0 : i32
    %eq3A_66 = arith.cmpi eq, %jit3A_64, %eq3A_65 : i32
    %jit3A_67 = arith.constant 1 : i32
    %select_n3A_68 = arith.select %eq3A_66, %jit3A_67, %jit3A_64 : i32
    %rem3A_69 = vector.broadcast %select_n3A_68 : i32 to vector<1x256xi32>
    %rem3A_70 = arith.remsi %get3A_63, %rem3A_69 : vector<1x256xi32>
    %ne3A_71 = arith.constant 0 : i32
    %ne3A_72 = vector.broadcast %ne3A_71 : i32 to vector<1x256xi32>
    %ne3A_73 = arith.cmpi ne, %rem3A_70, %ne3A_72 : vector<1x256xi32>
    %lt3A_74 = arith.constant 0 : i32
    %lt3A_75 = vector.broadcast %lt3A_74 : i32 to vector<1x256xi32>
    %lt3A_76 = arith.cmpi slt, %rem3A_70, %lt3A_75 : vector<1x256xi32>
    %lt3A_77 = arith.constant 0 : i32
    %lt3A_78 = arith.cmpi slt, %select_n3A_68, %lt3A_77 : i32
    %ne3A_79 = vector.broadcast %lt3A_78 : i1 to vector<1x256xi1>
    %ne3A_80 = vector.broadcast %ne3A_79 : vector<1x256xi1> to vector<1x256xi1>
    %ne3A_81 = arith.xori %lt3A_76, %ne3A_80 : vector<1x256xi1>
    %and3A_82 = arith.andi %ne3A_81, %ne3A_73 : vector<1x256xi1>
    %add3A_83 = vector.broadcast %select_n3A_68 : i32 to vector<1x256xi32>
    %add3A_84 = arith.addi %rem3A_70, %add3A_83 : vector<1x256xi32>
    %select_n3A_85 = arith.select %and3A_82, %add3A_84, %rem3A_70 : vector<1x256xi1>, vector<1x256xi32>
    %ge3A_86 = arith.constant 1024 : i32
    %ge3A_87 = vector.broadcast %ge3A_86 : i32 to vector<1x256xi32>
    %ge3A_88 = arith.cmpi sge, %select_n3A_85, %ge3A_87 : vector<1x256xi32>
    %get3A_89 = arith.constant 0 : index
    %get3A_90 = arith.constant 0 : index
    %get3A_91 = vector.load %arg4[%get3A_89, %get3A_90] : memref<256x128xf32, #tpu.memory_space<vmem>>, vector<256x128xf32>
    %transpose3A = tpu.transpose %get3A_91, [1, 0] : vector<256x128xf32> -> vector<128x256xf32>
    %get3A_92 = arith.constant 0 : index
    %get3A_93 = arith.constant 0 : index
    %get3A_94 = vector.load %arg5[%get3A_92, %get3A_93] : memref<256x128xf32, #tpu.memory_space<vmem>>, vector<256x128xf32>
    %transpose3A_95 = tpu.transpose %get3A_94, [1, 0] : vector<256x128xf32> -> vector<128x256xf32>
    %slice3A = vector.extract_strided_slice %transpose3A {offsets = [64, 0], sizes = [64, 256], strides = [1, 1]} : vector<128x256xf32> to vector<64x256xf32>
    %slice3A_96 = vector.extract_strided_slice %transpose3A {offsets = [0, 0], sizes = [64, 256], strides = [1, 1]} : vector<128x256xf32> to vector<64x256xf32>
    %broadcast_in_dim3A = vector.shape_cast %ge3A_58 : vector<1x256xi1> to vector<1x256xi1>
    %broadcast_in_dim3A_97 = vector.broadcast %broadcast_in_dim3A : vector<1x256xi1> to vector<64x256xi1>
    %select_n3A_98 = arith.select %broadcast_in_dim3A_97, %slice3A, %slice3A_96 : vector<64x256xi1>, vector<64x256xf32>
    %slice3A_99 = vector.extract_strided_slice %transpose3A_95 {offsets = [64, 0], sizes = [64, 256], strides = [1, 1]} : vector<128x256xf32> to vector<64x256xf32>
    %slice3A_100 = vector.extract_strided_slice %transpose3A_95 {offsets = [0, 0], sizes = [64, 256], strides = [1, 1]} : vector<128x256xf32> to vector<64x256xf32>
    %broadcast_in_dim3A_101 = vector.shape_cast %ge3A_88 : vector<1x256xi1> to vector<1x256xi1>
    %broadcast_in_dim3A_102 = vector.broadcast %broadcast_in_dim3A_101 : vector<1x256xi1> to vector<64x256xi1>
    %select_n3A_103 = arith.select %broadcast_in_dim3A_102, %slice3A_99, %slice3A_100 : vector<64x256xi1>, vector<64x256xf32>
    %reshape3A = vector.shape_cast %dot_general3A_26 : vector<4096x256xf32> to vector<64x64x256xf32>
    %broadcast_in_dim3A_104 = vector.shape_cast %select_n3A_98 : vector<64x256xf32> to vector<1x64x256xf32>
    %mul3A = vector.broadcast %broadcast_in_dim3A_104 : vector<1x64x256xf32> to vector<64x64x256xf32>
    %mul3A_105 = arith.mulf %reshape3A, %mul3A : vector<64x64x256xf32>
    %reduce_sum3A = arith.constant dense<0.000000e+00> : vector<64x256xf32>
    %reduce_sum3A_106 = vector.multi_reduction <add>, %mul3A_105, %reduce_sum3A [1] : vector<64x64x256xf32> to vector<64x256xf32>
    %add3A_107 = arith.addf %reduce_sum3A_106, %dot_general3A_31 : vector<64x256xf32>
    %mul3A_108 = arith.mulf %add3A_107, %select_n3A_103 : vector<64x256xf32>
    %reduce_sum3A_109 = arith.constant dense<0.000000e+00> : vector<256xf32>
    %reduce_sum3A_110 = vector.multi_reduction <add>, %mul3A_108, %reduce_sum3A_109 [0] : vector<64x256xf32> to vector<256xf32>
    %abs3A = math.absf %reduce_sum3A_110 : vector<256xf32>
    %neg3A = arith.constant 0.000000e+00 : f32
    %neg3A_111 = vector.broadcast %neg3A : f32 to vector<256xf32>
    %neg3A_112 = arith.subf %neg3A_111, %abs3A : vector<256xf32>
    %exp3A = math.exp %neg3A_112 : vector<256xf32>
    %add3A_113 = arith.constant 1.000000e+00 : f32
    %add3A_114 = vector.broadcast %add3A_113 : f32 to vector<256xf32>
    %add3A_115 = arith.addf %add3A_114, %exp3A : vector<256xf32>
    %log3A = math.log %add3A_115 : vector<256xf32>
    %min3A = arith.constant 0.000000e+00 : f32
    %min3A_116 = vector.broadcast %min3A : f32 to vector<256xf32>
    %min3A_117 = arith.minimumf %reduce_sum3A_110, %min3A_116 : vector<256xf32>
    %sub3A_118 = arith.subf %min3A_117, %log3A : vector<256xf32>
    %max3A = arith.constant 0.000000e+00 : f32
    %max3A_119 = vector.broadcast %max3A : f32 to vector<256xf32>
    %max3A_120 = arith.maximumf %reduce_sum3A_110, %max3A_119 : vector<256xf32>
    %neg3A_121 = arith.constant 0.000000e+00 : f32
    %neg3A_122 = vector.broadcast %neg3A_121 : f32 to vector<256xf32>
    %neg3A_123 = arith.subf %neg3A_122, %max3A_120 : vector<256xf32>
    %sub3A_124 = arith.subf %neg3A_123, %log3A : vector<256xf32>
    %neg3A_125 = arith.constant 0.000000e+00 : f32
    %neg3A_126 = vector.broadcast %neg3A_125 : f32 to vector<256xf32>
    %neg3A_127 = arith.subf %neg3A_126, %sub3A_118 : vector<256xf32>
    %reshape3A_128 = vector.shape_cast %neg3A_127 : vector<256xf32> to vector<1x1x256xf32>
    %swap3A = arith.constant 0 : index
    %swap3A_129 = arith.constant 0 : index
    %swap3A_130 = arith.constant 0 : index
    %swap3A_131 = vector.load %arg8[%swap3A, %swap3A_129, %swap3A_130] : memref<1x1x256xf32, #tpu.memory_space<vmem>>, vector<1x1x256xf32>
    tpu.vector_store %arg8[%swap3A, %swap3A_129, %swap3A_130], %reshape3A_128 {strides = array<i32>} : memref<1x1x256xf32, #tpu.memory_space<vmem>>, vector<1x1x256xf32>,
    %eq3A_132 = arith.constant 16 : i32
    %eq3A_133 = arith.cmpi eq, %arg0, %eq3A_132 : i32
    %convert_element_type3A_134 = arith.extui %eq3A_133 : i1 to i32
    %cond3A = arith.constant 0 : i32
    %cond3A_135 = arith.cmpi ne, %convert_element_type3A_134, %cond3A : i32
    scf.if %cond3A_135 {
      %broadcast_in_dim3A_141 = arith.constant 0.000000e+00 : f32
      %broadcast_in_dim3A_142 = vector.broadcast %broadcast_in_dim3A_141 : f32 to vector<8x128xf32>
      %swap3A_143 = arith.constant 0 : index
      %swap3A_144 = arith.constant 0 : index
      %swap3A_145 = vector.load %arg9[%swap3A_143, %swap3A_144] : memref<8x128xf32, #tpu.memory_space<vmem>>, vector<8x128xf32>
      tpu.vector_store %arg9[%swap3A_143, %swap3A_144], %broadcast_in_dim3A_142 {strides = array<i32>} : memref<8x128xf32, #tpu.memory_space<vmem>>, vector<8x128xf32>,
    } else {
    }
    %ge3A_136 = arith.constant 16 : i32
    %ge3A_137 = arith.cmpi sge, %arg0, %ge3A_136 : i32
    %convert_element_type3A_138 = arith.extui %ge3A_137 : i1 to i32
    %cond3A_139 = arith.constant 0 : i32
    %cond3A_140 = arith.cmpi ne, %convert_element_type3A_138, %cond3A_139 : i32
    scf.if %cond3A_140 {
      %iota3A_141 = tpu.iota {dimensions = array<i32: 0>} : vector<8x128xi32>
      %iota3A_142 = tpu.iota {dimensions = array<i32: 1>} : vector<8x128xi32>
      %sub3A_143 = arith.constant 1 : i32
      %sub3A_144 = arith.subi %select_n3A, %sub3A_143 : i32
      %eq3A_145 = vector.broadcast %sub3A_144 : i32 to vector<8x128xi32>
      %eq3A_146 = arith.cmpi eq, %iota3A_141, %eq3A_145 : vector<8x128xi32>
      %eq3A_147 = arith.constant 0 : i32
      %eq3A_148 = vector.broadcast %eq3A_147 : i32 to vector<8x128xi32>
      %eq3A_149 = arith.cmpi eq, %iota3A_142, %eq3A_148 : vector<8x128xi32>
      %and3A_150 = arith.andi %eq3A_146, %eq3A_149 : vector<8x128xi1>
      %get3A_151 = arith.constant 0 : index
      %get3A_152 = arith.constant 0 : index
      %get3A_153 = vector.load %arg9[%get3A_151, %get3A_152] : memref<8x128xf32, #tpu.memory_space<vmem>>, vector<8x128xf32>
      %reduce_sum3A_154 = vector.shape_cast %sub3A_124 : vector<256xf32> to vector<1x256xf32>
      %reduce_sum3A_155 = arith.constant dense<0.000000e+00> : vector<1xf32>
      %reduce_sum3A_156 = vector.multi_reduction <add>, %reduce_sum3A_154, %reduce_sum3A_155 [1] : vector<1x256xf32> to vector<1xf32>
      %reduce_sum3A_157 = vector.shape_cast %reduce_sum3A_156 : vector<1xf32> to vector<1x1xf32>
      %reduce_sum3A_158 = vector.extract %reduce_sum3A_157[0, 0] : f32 from vector<1x1xf32>
      %neg3A_159 = arith.constant 0.000000e+00 : f32
      %neg3A_160 = arith.subf %neg3A_159, %reduce_sum3A_158 : f32
      %jit3A_161 = arith.constant 0.000000e+00 : f32
      %broadcast_in_dim3A_162 = vector.broadcast %neg3A_160 : f32 to vector<8x128xf32>
      %broadcast_in_dim3A_163 = vector.broadcast %jit3A_161 : f32 to vector<8x128xf32>
      %select_n3A_164 = arith.select %and3A_150, %broadcast_in_dim3A_162, %broadcast_in_dim3A_163 : vector<8x128xi1>, vector<8x128xf32>
      %add3A_165 = arith.addf %get3A_153, %select_n3A_164 : vector<8x128xf32>
      %swap3A_166 = arith.constant 0 : index
      %swap3A_167 = arith.constant 0 : index
      %swap3A_168 = vector.load %arg9[%swap3A_166, %swap3A_167] : memref<8x128xf32, #tpu.memory_space<vmem>>, vector<8x128xf32>
      tpu.vector_store %arg9[%swap3A_166, %swap3A_167], %add3A_165 {strides = array<i32>} : memref<8x128xf32, #tpu.memory_space<vmem>>, vector<8x128xf32>,
    } else {
    }
    return
  }
  func.func @transform_0(%arg0: i32) -> (i32, i32, i32) {
    %c0_i32 = arith.constant 0 : i32
    %c0_i32_0 = arith.constant 0 : i32
    %c0_i32_1 = arith.constant 0 : i32
    return %arg0, %c0_i32, %c0_i32_0 : i32, i32, i32
  }
  func.func @transform_1(%arg0: i32) -> (i32, i32, i32) {
    %c0_i32 = arith.constant 0 : i32
    %c0_i32_0 = arith.constant 0 : i32
    %c0_i32_1 = arith.constant 0 : i32
    return %arg0, %c0_i32, %c0_i32_0 : i32, i32, i32
  }
  func.func @transform_2(%arg0: i32) -> (i32, i32, i32) {
    %c0_i32 = arith.constant 0 : i32
    %c0_i32_0 = arith.constant 0 : i32
    %c0_i32_1 = arith.constant 0 : i32
    return %arg0, %c0_i32, %c0_i32_0 : i32, i32, i32
  }
  func.func @transform_3(%arg0: i32) -> (i32, i32) {
    %c0_i32 = arith.constant 0 : i32
    %c0_i32_0 = arith.constant 0 : i32
    return %arg0, %c0_i32 : i32, i32
  }
  func.func @transform_4(%arg0: i32) -> (i32, i32) {
    %c0_i32 = arith.constant 0 : i32
    %c0_i32_0 = arith.constant 0 : i32
    return %arg0, %c0_i32 : i32, i32
  }
  func.func @transform_5(%arg0: i32) -> (i32, i32) {
    %c0_i32 = arith.constant 0 : i32
    %c0_i32_0 = arith.constant 0 : i32
    %c0_i32_1 = arith.constant 0 : i32
    return %c0_i32, %c0_i32_0 : i32, i32
  }
  func.func @transform_6(%arg0: i32) -> (i32, i32) {
    %c0_i32 = arith.constant 0 : i32
    %c0_i32_0 = arith.constant 0 : i32
    %c0_i32_1 = arith.constant 0 : i32
    return %c0_i32, %c0_i32_0 : i32, i32
  }
  func.func @transform_7(%arg0: i32) -> (i32, i32, i32) {
    %c0_i32 = arith.constant 0 : i32
    %c0_i32_0 = arith.constant 0 : i32
    %c0_i32_1 = arith.constant 0 : i32
    return %arg0, %c0_i32, %c0_i32_0 : i32, i32, i32
  }
  func.func @transform_8(%arg0: i32) -> (i32, i32) {
    %c0_i32 = arith.constant 0 : i32
    %c0_i32_0 = arith.constant 0 : i32
    %c0_i32_1 = arith.constant 0 : i32
    return %c0_i32, %c0_i32_0 : i32, i32
  }
}

</mosaic_0001>

<sc_bundles>
// kernel: kernel.6.cloned.1.call-start
scs
__scs_entry_jumppad:
0x0: {  	(pc) =	sbr.rel $0x88, $3  }
0x1: {  	(tag) =	ssettag $0x0;
	lr =	simm.s32 $0x1  }
0x2: {  	[smem:$0x3F97] =	sst lr;
	_ =	strace $0xD0000000  }
0x3: {  	_ = 	snop  }
0x4: {  	_ = 	snop  }
0x5: {  	_ = 	snop  }
0x6: {  	_ = 	snop  }
0x7: {  	_ = 	snop  }
__scs_overlays_trampoline_lowered:
0x8: {  	[smem:$0x3FA6] =	sst s0  }
0x9: {  	[smem:$0x3FA7] =	sst s1  }
0xa: {  	[smem:$0x3FA8] =	sst s2  }
0xb: {  	[smem:$0x3FA9] =	sst s3  }
0xc: {  	[smem:$0x3FAA] =	sst s4  }
0xd: {  	[smem:$0x3FAB] =	sst s5  }
0xe: {  	[smem:$0x3FAC] =	sst s6  }
0xf: {  	[smem:$0x3FAD] =	sst s7  }
0x10: {  	[smem:$0x3FAE] =	sst s8  }
0x11: {  	[smem:$0x3FAF] =	sst s9;
	s0 =	simm.s32 @!p0 $0x0  }
0x12: {  	s1 =	sld [smem:$0x3F95];
	s0 =	simm.s32 @p0 $0x1  }
0x13: {  	[smem:$0x3FB0] =	sst s0;
	s0 =	simm.s32 @!p1 $0x0  }
0x14: {  	s2 =	sld [smem:$0x3F94];
	s0 =	simm.s32 @p1 $0x1  }
0x15: {  	[smem:$0x3FB1] =	sst s0;
	s0 =	simm.s32 @!p2 $0x0  }
0x16: {  	s3 =	sld [smem:$0x3FDB];
	s0 =	simm.s32 @p2 $0x1  }
0x17: {  	s4 =	simm.s32 $0x1BF5;
	[smem:$0x3FB3] =	sst s0  }
0x18: {  	s0 =	sld [smem:$0x3F96];
	_ =	swait.ge [sflag:s4], $0x0  }
0x19: {  	s7 =	sld [smem:$0x3F97]  }
0x1a: {  	s8 =	sadd.s32 $0xFFFFE003, lr  }
0x1b: {  	s9 =	sadd.s32 $0xFFFFFEF7, lr;
	s5 =	simm.s32 $0xFFFFFFFF;
	p2 =	slt.u32 s8, $0xFFFFF086  }
0x1c: {  	p1 =	slt.u32 s9, $0xF7A;
	s5 =	simm.s32 @!p2 $0x0  }
0x1d: {  	s5 =	simm.s32 @p1 $0x1;
	p0 =	seq.s32 s7, s2  }
0x1e: {  	s7 =	smul.u32 @!p0 $0xF7A, s2;
	p2 =	seq.s32 @!p0 s5, $0x0  }
0x1f: {  	s9 =	smul.u32 $0xF7A, s1;
	s8 =	simm.s32 @!p0 $0x1BF5;
	p2 =	por !p2, p0  }
0x20: {  	[sflag:s8] =	ssyncset.s32 @!p0 $0xFFFFF086;
	s6 =	sadd.s32 @!p0 s3, s7;
	s7 =	simm.s32 @!p0 $0x108  }
0x21: {  	s3 =	sadd.s32 s3, s9;
	s6 =	sadd.s32 @!p0 $0x88, s6;
	s7 =	simm.s32 @p2 $0x1082  }
0x22: {  	[simem:s7], [sflag:s8] =	dma.local @!p0 [hbm:s6], $0xF7A  }
0x23: {  	s9 =	sor.u32 $0xD0000000, s2;
	s6 =	simm.s32 $0x108;
	_ =	swait.ge @!p0 [sflag:s8], $0x0  }
0x24: {  	s3 =	sadd.s32 $0x88, s3;
	s6 =	simm.s32 @!p1 $0x1082;
	[sflag:s4] =	ssyncset.s32 $0xFFFFF086  }
0x25: {  	[simem:s6], [sflag:s4] =	dma.local [hbm:s3], $0xF7A  }
0x26: {  	[smem:$0x3F97] =	sst s1;
	(tag) =	ssettag s2;
	_ =	strace s9  }
0x27: {  	s1 =	sld [smem:$0x3FA7]  }
0x28: {  	s2 =	sld [smem:$0x3FA8]  }
0x29: {  	s4 =	sld [smem:$0x3FAA]  }
0x2a: {  	p0 =	seq.s32 s5, $0x0;
	s5 =	sld [smem:$0x3FAB]  }
0x2b: {  	s6 =	sld [smem:$0x3FAC]  }
0x2c: {  	s7 =	sld [smem:$0x3FAD]  }
0x2d: {  	s3 =	simm.s32 $0x108;
	s8 =	sld [smem:$0x3FAE]  }
0x2e: {  	s3 =	simm.s32 @!p0 $0x1082;
	s9 =	sld [smem:$0x3FAF]  }
0x2f: {  	lr =	sadd.s32 s0, s3;
	s0 =	sld [smem:$0x3FA6]  }
0x30: {  	s3 =	sld [smem:$0x3FA9]  }
0x31: {  	[smem:$0x3FB2] =	sst s10  }
0x32: {  	s10 =	sld [smem:$0x3FB0];
	_ =	sdelay $0x3  }
0x33: {  	p0 =	seq.s32 s10, $0x1;
	s10 =	sld [smem:$0x3FB2];
	_ =	sdelay $0x3  }
0x34: {  	[smem:$0x3FB2] =	sst s10  }
0x35: {  	s10 =	sld [smem:$0x3FB1];
	_ =	sdelay $0x3  }
0x36: {  	p1 =	seq.s32 s10, $0x1;
	s10 =	sld [smem:$0x3FB2];
	_ =	sdelay $0x3  }
0x37: {  	[smem:$0x3FB2] =	sst s10  }
0x38: {  	s10 =	sld [smem:$0x3FB3]  }
0x39: {  	_ = 	snop;
	(pc) =	sbr.ind lr, $3  }
0x3a: {  	_ = 	snop  }
0x3b: {  	_ = 	snop  }
0x3c: {  	p2 =	seq.s32 s10, $0x1;
	s10 =	sld [smem:$0x3FB2]  }
0x3d: {  	_ =	shalt  }
0x3e: {  	_ =	shalt  }
0x3f: {  	_ =	shalt  }
0x40: {  	_ =	shalt  }
0x41: {  	_ =	shalt  }
0x42: {  	_ =	shalt  }
0x43: {  	_ =	shalt  }
0x44: {  	_ =	shalt  }
0x45: {  	_ =	shalt  }
0x46: {  	_ =	shalt  }
0x47: {  	_ =	shalt  }
0x48: {  	_ =	shalt  }
0x49: {  	_ =	shalt  }
0x4a: {  	_ =	shalt  }
0x4b: {  	_ =	shalt  }
0x4c: {  	_ =	shalt  }
0x4d: {  	_ =	shalt  }
0x4e: {  	_ =	shalt  }
0x4f: {  	_ =	shalt  }
0x50: {  	_ =	shalt  }
0x51: {  	_ =	shalt  }
0x52: {  	_ =	shalt  }
0x53: {  	_ =	shalt  }
0x54: {  	_ =	shalt  }
0x55: {  	_ =	shalt  }
0x56: {  	_ =	shalt  }
0x57: {  	_ =	shalt  }
0x58: {  	_ =	shalt  }
0x59: {  	_ =	shalt  }
0x5a: {  	_ =	shalt  }
0x5b: {  	_ =	shalt  }
0x5c: {  	_ =	shalt  }
0x5d: {  	_ =	shalt  }
0x5e: {  	_ =	shalt  }
0x5f: {  	_ =	shalt  }
0x60: {  	_ =	shalt  }
0x61: {  	_ =	shalt  }
0x62: {  	_ =	shalt  }
0x63: {  	_ =	shalt  }
0x64: {  	_ =	shalt  }
0x65: {  	_ =	shalt  }
0x66: {  	_ =	shalt  }
0x67: {  	_ =	shalt  }
0x68: {  	_ =	shalt  }
0x69: {  	_ =	shalt  }
0x6a: {  	_ =	shalt  }
0x6b: {  	_ =	shalt  }
0x6c: {  	_ =	shalt  }
0x6d: {  	_ =	shalt  }
0x6e: {  	_ =	shalt  }
0x6f: {  	_ =	shalt  }
0x70: {  	_ =	shalt  }
0x71: {  	_ =	shalt  }
0x72: {  	_ =	shalt  }
0x73: {  	_ =	shalt  }
0x74: {  	_ =	shalt  }
0x75: {  	_ =	shalt  }
0x76: {  	_ =	shalt  }
0x77: {  	_ =	shalt  }
0x78: {  	_ =	shalt  }
0x79: {  	_ =	shalt  }
0x7a: {  	_ =	shalt  }
0x7b: {  	_ =	shalt  }
0x7c: {  	_ =	shalt  }
0x7d: {  	_ =	shalt  }
0x7e: {  	_ =	shalt  }
0x7f: {  	_ =	shalt  }
0x80: {  	_ =	shalt  }
0x81: {  	_ =	shalt  }
0x82: {  	_ =	shalt  }
0x83: {  	_ =	shalt  }
0x84: {  	_ =	shalt  }
0x85: {  	_ =	shalt  }
0x86: {  	_ =	shalt  }
0x87: {  	_ =	shalt  }
.Lfunc_end0:
.L_simem_size_0:
called_computation_lowered:
.L_overlay_start_0:
0x88: {  	s2 =	sld [smem:$0x3FD9]  }
0x89: {  	s3 =	sld [smem:$0x3FFE];
	_ =	sdelay $0x1  }
0x8a: {  	s1 =	srdreg.scid  }
0x8b: {  	s0 =	sand.u32 $0x1, s1  }
0x8c: {  	s16 =	sshll.u32 s0, $0xA;
	s2 =	sadd.s32 s3, s2  }
0x8d: {  	s2 =	sadd.s32 s2, s16  }
0x8e: {  	[smem:$0x3FBE] =	sst s2  }
0x8f: {  	_ = 	snop  }
0x90: {  	(tm) =	ssettm $0x1  }
0x91: {  	s17 =	sld [smem:$0x3FFB];
	_ =	sdelay $0x3  }
0x92: {  	_ =	strace s17  }
0x93: {  	s2 =	sld [smem:$0x3FFC];
	_ =	sdelay $0x3  }
0x94: {  	_ =	strace s2  }
0x95: {  	s2 =	sld [smem:$0x3FFD];
	_ =	sdelay $0x3  }
0x96: {  	_ =	strace s2  }
0x97: {  	_ =	strace $0x8FFFFFFF  }
0x98: {  	s18 =	sld [smem:$0x3FDB];
	_ =	sdelay $0x1  }
0x99: {  	s19 =	simm.s32 $_scs_section_size  }
0x9a: {  	s4 =	simm.s32 $_size__tile_overlayer_lowered;
	s5 =	simm.s32 $_tile_overlayer_lowered  }
0x9b: {  	s22 =	simm.s32 $0x1BFF;
	s21 =	sshll.u32 s5, $0x1;
	s2 =	sadd.s32 s19, s18  }
0x9c: {  	s6 =	simm.s32 $0x0;
	s20 =	sshll.u32 s4, $0x1;
	s4 =	sadd.s32 s21, s2  }
0x9d: {  	[timem:s6], [sflag:s22] =	dma.local [hbm:s4], s20  }
0x9e: {  	_ =	swait.ge [sflag:s22], s20  }
0x9f: {  	s3 =	ssub.s32 $0x0, s20;
	[sflag:s22] =	ssyncset.done $0x0  }
0xa0: {  	[sflag:s22] =	ssyncadd.s32 s3;
	_ =	sdelay $0x1  }
0xa1: {  	s23 =	simm.s32 $0x1B8B  }
0xa2: {  	_ =	swait.ge [sflag:s23], $0x1  }
0xa3: {  	[sflag:s23] =	ssyncset.done $0x0  }
0xa4: {  	s25 =	simm.s32 $0x1B8E;
	s24 =	sld [smem:$0x3FFE];
	[sflag:s23] =	ssyncadd.s32 $0xFFFFFFFF  }
0xa5: {  	s26 =	simm.s32 $execute0_lowered;
	[smem:$0x3FD2] =	sst s25  }
0xa6: {  	s4 =	sshll.u32 s26, $0x1;
	_ =	strace $0x80000046;
	[dreg:$0x1] =	wrdreg $0xFFFFFFFF  }
0xa7: {  	s28 =	simm.s32 $_size_execute0_lowered;
	s2 =	sadd.s32 s2, s4;
	[dreg:$0x0] =	wrdreg $0x0  }
0xa8: {  	s4 =	sshll.u32 s28, $0x1;
	[dreg:$0x2] =	wrdreg s2  }
0xa9: {  	[dreg:$0x3] =	wrdreg s4  }
0xaa: {  	[dreg:$0x4] =	wrdreg $0xC0  }
0xab: {  	_ =	task [dreg:s6], $0x5FFFF  }
0xac: {  	[dreg:$0x1] =	wrdreg $0xFFFFFFFF  }
0xad: {  	[dreg:$0x0] =	wrdreg $0x60  }
0xae: {  	[dreg:$0x2] =	wrdreg s24  }
0xaf: {  	[dreg:$0x3] =	wrdreg $0x9  }
0xb0: {  	_ =	task.clear_ibuf [dreg:s6], $0x4FFFF;
	_ =	strace $0x90000046  }
0xb1: {  	s29 =	simm.s32 $0x9;
	_ =	strace $0x80000048  }
0xb2: {  	_ =	swait.ge [sflag:s29], $0x1  }
0xb3: {  	[sflag:s29] =	ssyncadd.s32 $0xFFFFFFFF  }
0xb4: {  	_ =	strace $0x90000048  }
0xb5: {  	_ =	sfence  }
0xb6: {  	s30 =	sld [smem:$0x0];
	_ =	sdelay $0x2  }
0xb7: {  	s31 =	sshll.u32 s1, $0xD;
	s1 =	sshrl.u32 s1, $0x2  }
0xb8: {  	s3 =	sand.u32 $0x4000, s31;
	s1 =	sadd.s32 s1, s30  }
0xb9: {  	s0 =	sor.u32 s3, s0;
	s1 =	sshll.u32 s1, $0x11  }
0xba: {  	s0 =	sor.u32 s1, s0  }
0xbb: {  	s0 =	sadd.s32 $0x8F2B, s0  }
0xbc: {  	[sflag:s0] =	ssyncadd.remote.s32 $0x1  }
0xbd: {  	_ =	sfence.sel $0xFFFF  }
0xbe: {  	[dreg:$0x0] =	wrdreg $0xFFFFFFFF;
	(pc) =	sbr.abs _section_cstart, $3  }
0xbf: {  	[dreg:$0x1] =	wrdreg $0xFFFFFFFF  }
0xc0: {  	_ =	task.clear_ibuf [dreg:s6], $0x2FFFF;
	_ =	strace $0x9FFFFFFF  }
0xc1: {  	(tm) =	ssettm $0x7FFFFFFF  }
tec
execute0_lowered:
.L_overlay_start_1:
0x0: {  	(tag) =	ssettag $0x1  }
0x1: {  	s1 =	srdreg.scid;
	s0 =	stileid.u32  }
0x2: {  	s21 =	sand.u32 $0x1, s1;
	s30 =	sshll.u32 s0, $0x1  }
0x3: {  	s20 =	rddreg [dreg:$0x0];
	s18 =	sor.u32 s21, s30  }
0x4: {  	s2 =	simm.s32 $0x0;
	s1 =	rddreg [dreg:$0x1];
	s3 =	sshll.u32 s18, $0x7  }
0x5: {  	[smem:$0x7FF] =	sst s2;
	s19 =	sadd.s32 s3, s20  }
0x6: {  	_ =	strace $0x80000047;
	s3 =	simm.s32 $0x2;
	s4 =	sadd.s32 $0x2E00, s19  }
0x7: {  	[tilespmem:s2], [sflag:$0x2] =	stream.linear.gather [hbm4b:s4+s2], $0x300, $0x38;
	[tilespmem:$0x18400] =	vst v63  }
0x8: {  	_ =	swait.ge [sflag:s3], $0x300  }
0x9: {  	s6 =	simm.s32 $0x80;
	[sflag:s3] =	ssyncset.done $0x0  }
0xa: {  	s7 =	simm.s32 $0x400;
	s5 =	sadd.s32 $0x7A9E00, s20;
	[sflag:s3] =	ssyncadd.s32 $0xFFFFFD00  }
0xb: {  	[tilespmem:s7], [sflag:$0x1] =	stream.indirect.gather [hbm4b:s5+s6], $0x80, s2, s6, $0xb8;
	[tilespmem:$0x18400] =	vst v63  }
0xc: {  	s8 =	simm.s32 $0x4400  }
0xd: {  	[tilespmem:s8], [sflag:$0x1] =	stream.indirect.gather [hbm4b:s5+s6], $0x80, s6, s6, $0xb8;
	[tilespmem:$0x18400] =	vst v63  }
0xe: {  	s9 =	simm.s32 $0x100;
	s10 =	simm.s32 $0x8400  }
0xf: {  	[tilespmem:s10], [sflag:$0x1] =	stream.indirect.gather [hbm4b:s5+s6], $0x80, s9, s6, $0xb8;
	[tilespmem:$0x18400] =	vst v63  }
0x10: {  	s11 =	simm.s32 $0x180;
	s12 =	simm.s32 $0xC400  }
0x11: {  	[tilespmem:s12], [sflag:$0x1] =	stream.indirect.gather [hbm4b:s5+s6], $0x80, s11, s6, $0xb8;
	[tilespmem:$0x18400] =	vst v63  }
0x12: {  	s13 =	simm.s32 $0x200;
	s14 =	simm.s32 $0x10400  }
0x13: {  	[tilespmem:s14], [sflag:$0x1] =	stream.indirect.gather [hbm4b:s5+s6], $0x80, s13, s6, $0xb8;
	[tilespmem:$0x18400] =	vst v63  }
0x14: {  	s15 =	simm.s32 $0x280;
	s16 =	simm.s32 $0x14400;
	s17 =	simm.s32 $0x1  }
0x15: {  	[tilespmem:s16], [sflag:$0x1] =	stream.indirect.gather [hbm4b:s5+s6], $0x80, s15, s6, $0xb8;
	[tilespmem:$0x18400] =	vst v63  }
0x16: {  	_ =	swait.ge [sflag:s17], $0x4000  }
0x17: {  	[sflag:s17] =	ssyncset.done $0x0  }
0x18: {  	[sflag:s17] =	ssyncadd.s32 $0xFFFFC000  }
0x19: {  	_ =	swait.ge [sflag:s17], $0x4000  }
0x1a: {  	[sflag:s17] =	ssyncset.done $0x0  }
0x1b: {  	[sflag:s17] =	ssyncadd.s32 $0xFFFFC000  }
0x1c: {  	_ =	swait.ge [sflag:s17], $0x4000  }
0x1d: {  	[sflag:s17] =	ssyncset.done $0x0  }
0x1e: {  	[sflag:s17] =	ssyncadd.s32 $0xFFFFC000  }
0x1f: {  	_ =	swait.ge [sflag:s17], $0x4000  }
0x20: {  	[sflag:s17] =	ssyncset.done $0x0  }
0x21: {  	[sflag:s17] =	ssyncadd.s32 $0xFFFFC000  }
0x22: {  	_ =	swait.ge [sflag:s17], $0x4000  }
0x23: {  	[sflag:s17] =	ssyncset.done $0x0  }
0x24: {  	s18 =	smul.u32 $0x3000, s18;
	[sflag:s17] =	ssyncadd.s32 $0xFFFFC000  }
0x25: {  	_ =	swait.ge [sflag:s17], $0x4000  }
0x26: {  	s22 =	sadd.s32 s18, s20;
	[sflag:s17] =	ssyncset.done $0x0  }
0x27: {  	s18 =	sadd.s32 $0x86DE00, s22;
	[sflag:s17] =	ssyncadd.s32 $0xFFFFC000  }
0x28: {  	[hbm4b:s18+s2] =	stream.linear.scatter [tilespmem:s7], [sflag:$0x2], $0x18000, $0x38;
	[tilespmem:$0x18400] =	vst v63  }
0x29: {  	_ =	swait.ge [sflag:s3], $0x18000  }
0x2a: {  	[sflag:s3] =	ssyncset.done $0x0  }
0x2b: {  	s19 =	sadd.s32 $0x4E00, s19;
	[sflag:s3] =	ssyncadd.s32 $0xFFFE8000  }
0x2c: {  	[tilespmem:s2], [sflag:$0x2] =	stream.linear.gather [hbm4b:s19+s2], $0x300, $0x38;
	[tilespmem:$0x18400] =	vst v63  }
0x2d: {  	_ =	swait.ge [sflag:s3], $0x300  }
0x2e: {  	[sflag:s3] =	ssyncset.done $0x0  }
0x2f: {  	s20 =	sadd.s32 $0x5E00, s20;
	[sflag:s3] =	ssyncadd.s32 $0xFFFFFD00  }
0x30: {  	[tilespmem:s7], [sflag:$0x1] =	stream.indirect.gather [hbm4b:s20+s6], $0x80, s2, s6, $0xb8;
	[tilespmem:$0x18400] =	vst v63  }
0x31: {  	_ = 	snop  }
0x32: {  	[tilespmem:s8], [sflag:$0x1] =	stream.indirect.gather [hbm4b:s20+s6], $0x80, s6, s6, $0xb8;
	[tilespmem:$0x18400] =	vst v63  }
0x33: {  	_ = 	snop  }
0x34: {  	[tilespmem:s10], [sflag:$0x1] =	stream.indirect.gather [hbm4b:s20+s6], $0x80, s9, s6, $0xb8;
	[tilespmem:$0x18400] =	vst v63  }
0x35: {  	_ = 	snop  }
0x36: {  	[tilespmem:s12], [sflag:$0x1] =	stream.indirect.gather [hbm4b:s20+s6], $0x80, s11, s6, $0xb8;
	[tilespmem:$0x18400] =	vst v63  }
0x37: {  	_ = 	snop  }
0x38: {  	[tilespmem:s14], [sflag:$0x1] =	stream.indirect.gather [hbm4b:s20+s6], $0x80, s13, s6, $0xb8;
	[tilespmem:$0x18400] =	vst v63  }
0x39: {  	_ = 	snop  }
0x3a: {  	[tilespmem:s16], [sflag:$0x1] =	stream.indirect.gather [hbm4b:s20+s6], $0x80, s15, s6, $0xb8;
	[tilespmem:$0x18400] =	vst v63  }
0x3b: {  	_ =	swait.ge [sflag:s17], $0x4000  }
0x3c: {  	[sflag:s17] =	ssyncset.done $0x0  }
0x3d: {  	[sflag:s17] =	ssyncadd.s32 $0xFFFFC000  }
0x3e: {  	_ =	swait.ge [sflag:s17], $0x4000  }
0x3f: {  	[sflag:s17] =	ssyncset.done $0x0  }
0x40: {  	[sflag:s17] =	ssyncadd.s32 $0xFFFFC000  }
0x41: {  	_ =	swait.ge [sflag:s17], $0x4000  }
0x42: {  	[sflag:s17] =	ssyncset.done $0x0  }
0x43: {  	[sflag:s17] =	ssyncadd.s32 $0xFFFFC000  }
0x44: {  	_ =	swait.ge [sflag:s17], $0x4000  }
0x45: {  	[sflag:s17] =	ssyncset.done $0x0  }
0x46: {  	s21 =	ssub.s32 $0x2, s21;
	[sflag:s17] =	ssyncadd.s32 $0xFFFFC000  }
0x47: {  	s23 =	sshrl.u32 s21, $0x1;
	_ =	swait.ge [sflag:s17], $0x4000  }
0x48: {  	s23 =	ssub.s32 s21, s23;
	[sflag:s17] =	ssyncset.done $0x0  }
0x49: {  	s31 =	smax.u32 s23, $0x1;
	[sflag:s17] =	ssyncadd.s32 $0xFFFFC000  }
0x4a: {  	p0 =	sne.s32 s31, $0x1;
	_ =	swait.ge [sflag:s17], $0x4000  }
.Ltmp0:
0x4b: {  	[sflag:s17] =	ssyncset.done $0x0;
	(pc) =	sbr.rel @!p0 .LBB2_2-.Ltmp0, $4  }
0x4c: {  	s21 =	sadd.s32 $0x8CDE00, s22;
	[sflag:s17] =	ssyncadd.s32 $0xFFFFC000  }
0x4d: {  	[hbm4b:s21+s2] =	stream.linear.scatter [tilespmem:s7], [sflag:$0x2], $0x18000, $0x38;
	[tilespmem:$0x18400] =	vst v63  }
0x4e: {  	_ =	swait.ge [sflag:s3], $0x18000  }
0x4f: {  	s22 =	sadd.s32 $0xFFFFFFFF, s31;
	[sflag:s3] =	ssyncset.done $0x0  }
.LBB2_1:
0x50: {  	p0 =	sne.s32 s22, $0x1;
	s22 =	sadd.s32 $0xFFFFFFFF, s22;
	[sflag:s3] =	ssyncadd.s32 $0xFFFE8000  }
0x51: {  	[tilespmem:s2], [sflag:$0x2] =	stream.linear.gather [hbm4b:s4+s2], $0x300, $0x38;
	[tilespmem:$0x18400] =	vst v63  }
0x52: {  	_ =	swait.ge [sflag:s3], $0x300  }
0x53: {  	[sflag:s3] =	ssyncset.done $0x0  }
0x54: {  	[sflag:s3] =	ssyncadd.s32 $0xFFFFFD00  }
0x55: {  	[tilespmem:s7], [sflag:$0x1] =	stream.indirect.gather [hbm4b:s5+s6], $0x80, s2, s6, $0xb8;
	[tilespmem:$0x18400] =	vst v63  }
0x56: {  	_ = 	snop  }
0x57: {  	[tilespmem:s8], [sflag:$0x1] =	stream.indirect.gather [hbm4b:s5+s6], $0x80, s6, s6, $0xb8;
	[tilespmem:$0x18400] =	vst v63  }
0x58: {  	_ = 	snop  }
0x59: {  	[tilespmem:s10], [sflag:$0x1] =	stream.indirect.gather [hbm4b:s5+s6], $0x80, s9, s6, $0xb8;
	[tilespmem:$0x18400] =	vst v63  }
0x5a: {  	_ = 	snop  }
0x5b: {  	[tilespmem:s12], [sflag:$0x1] =	stream.indirect.gather [hbm4b:s5+s6], $0x80, s11, s6, $0xb8;
	[tilespmem:$0x18400] =	vst v63  }
0x5c: {  	_ = 	snop  }
0x5d: {  	[tilespmem:s14], [sflag:$0x1] =	stream.indirect.gather [hbm4b:s5+s6], $0x80, s13, s6, $0xb8;
	[tilespmem:$0x18400] =	vst v63  }
0x5e: {  	_ = 	snop  }
0x5f: {  	[tilespmem:s16], [sflag:$0x1] =	stream.indirect.gather [hbm4b:s5+s6], $0x80, s15, s6, $0xb8;
	[tilespmem:$0x18400] =	vst v63  }
0x60: {  	_ =	swait.ge [sflag:s17], $0x4000  }
0x61: {  	[sflag:s17] =	ssyncset.done $0x0  }
0x62: {  	[sflag:s17] =	ssyncadd.s32 $0xFFFFC000  }
0x63: {  	_ =	swait.ge [sflag:s17], $0x4000  }
0x64: {  	[sflag:s17] =	ssyncset.done $0x0  }
0x65: {  	[sflag:s17] =	ssyncadd.s32 $0xFFFFC000  }
0x66: {  	_ =	swait.ge [sflag:s17], $0x4000  }
0x67: {  	[sflag:s17] =	ssyncset.done $0x0  }
0x68: {  	[sflag:s17] =	ssyncadd.s32 $0xFFFFC000  }
0x69: {  	_ =	swait.ge [sflag:s17], $0x4000  }
0x6a: {  	[sflag:s17] =	ssyncset.done $0x0  }
0x6b: {  	[sflag:s17] =	ssyncadd.s32 $0xFFFFC000  }
0x6c: {  	_ =	swait.ge [sflag:s17], $0x4000  }
0x6d: {  	[sflag:s17] =	ssyncset.done $0x0  }
0x6e: {  	[sflag:s17] =	ssyncadd.s32 $0xFFFFC000  }
0x6f: {  	_ =	swait.ge [sflag:s17], $0x4000  }
0x70: {  	[sflag:s17] =	ssyncset.done $0x0  }
0x71: {  	[sflag:s17] =	ssyncadd.s32 $0xFFFFC000  }
0x72: {  	[hbm4b:s18+s2] =	stream.linear.scatter [tilespmem:s7], [sflag:$0x2], $0x18000, $0x38;
	[tilespmem:$0x18400] =	vst v63  }
0x73: {  	_ =	swait.ge [sflag:s3], $0x18000  }
0x74: {  	[sflag:s3] =	ssyncset.done $0x0  }
0x75: {  	[sflag:s3] =	ssyncadd.s32 $0xFFFE8000  }
0x76: {  	[tilespmem:s2], [sflag:$0x2] =	stream.linear.gather [hbm4b:s19+s2], $0x300, $0x38;
	[tilespmem:$0x18400] =	vst v63  }
0x77: {  	_ =	swait.ge [sflag:s3], $0x300  }
0x78: {  	[sflag:s3] =	ssyncset.done $0x0  }
0x79: {  	[sflag:s3] =	ssyncadd.s32 $0xFFFFFD00  }
0x7a: {  	[tilespmem:s7], [sflag:$0x1] =	stream.indirect.gather [hbm4b:s20+s6], $0x80, s2, s6, $0xb8;
	[tilespmem:$0x18400] =	vst v63  }
0x7b: {  	_ = 	snop  }
0x7c: {  	[tilespmem:s8], [sflag:$0x1] =	stream.indirect.gather [hbm4b:s20+s6], $0x80, s6, s6, $0xb8;
	[tilespmem:$0x18400] =	vst v63  }
0x7d: {  	_ = 	snop  }
0x7e: {  	[tilespmem:s10], [sflag:$0x1] =	stream.indirect.gather [hbm4b:s20+s6], $0x80, s9, s6, $0xb8;
	[tilespmem:$0x18400] =	vst v63  }
0x7f: {  	_ = 	snop  }
0x80: {  	[tilespmem:s12], [sflag:$0x1] =	stream.indirect.gather [hbm4b:s20+s6], $0x80, s11, s6, $0xb8;
	[tilespmem:$0x18400] =	vst v63  }
0x81: {  	_ = 	snop  }
0x82: {  	[tilespmem:s14], [sflag:$0x1] =	stream.indirect.gather [hbm4b:s20+s6], $0x80, s13, s6, $0xb8;
	[tilespmem:$0x18400] =	vst v63  }
0x83: {  	_ = 	snop  }
0x84: {  	[tilespmem:s16], [sflag:$0x1] =	stream.indirect.gather [hbm4b:s20+s6], $0x80, s15, s6, $0xb8;
	[tilespmem:$0x18400] =	vst v63  }
0x85: {  	_ =	swait.ge [sflag:s17], $0x4000  }
0x86: {  	[sflag:s17] =	ssyncset.done $0x0  }
0x87: {  	[sflag:s17] =	ssyncadd.s32 $0xFFFFC000  }
0x88: {  	_ =	swait.ge [sflag:s17], $0x4000  }
0x89: {  	[sflag:s17] =	ssyncset.done $0x0  }
0x8a: {  	[sflag:s17] =	ssyncadd.s32 $0xFFFFC000  }
0x8b: {  	_ =	swait.ge [sflag:s17], $0x4000  }
0x8c: {  	[sflag:s17] =	ssyncset.done $0x0  }
0x8d: {  	[sflag:s17] =	ssyncadd.s32 $0xFFFFC000  }
0x8e: {  	_ =	swait.ge [sflag:s17], $0x4000  }
0x8f: {  	[sflag:s17] =	ssyncset.done $0x0  }
0x90: {  	[sflag:s17] =	ssyncadd.s32 $0xFFFFC000  }
0x91: {  	_ =	swait.ge [sflag:s17], $0x4000  }
0x92: {  	[sflag:s17] =	ssyncset.done $0x0  }
0x93: {  	[sflag:s17] =	ssyncadd.s32 $0xFFFFC000  }
0x94: {  	_ =	swait.ge [sflag:s17], $0x4000  }
.Ltmp1:
0x95: {  	[sflag:s17] =	ssyncset.done $0x0;
	(pc) =	sbr.rel @p0 .LBB2_1-.Ltmp1, $4  }
0x96: {  	[sflag:s17] =	ssyncadd.s32 $0xFFFFC000  }
0x97: {  	[hbm4b:s21+s2] =	stream.linear.scatter [tilespmem:s7], [sflag:$0x2], $0x18000, $0x38;
	[tilespmem:$0x18400] =	vst v63  }
0x98: {  	_ =	swait.ge [sflag:s3], $0x18000  }
0x99: {  	[sflag:s3] =	ssyncset.done $0x0  }
.LBB2_2:
0x9a: {  	[sflag:s3] =	ssyncadd.s32 $0xFFFE8000  }
0x9b: {  	_ =	sfence.sel $0x180000  }
0x9c: {  	[bflag:$0x0] =	sbarrier.arrive $0xFFFF  }
0x9d: {  	p0 =	sne.s32 s0, $0x0;
	_ =	strace $0x90000047  }
0x9e: {  	s0 =	sadd.s32 @!p0 $0x100000, s1;
	[bflag:$0x2] =	sbarrier.arrive $0xFFFF  }
0x9f: {  	[sflag:s0] =	ssyncadd.tile.s32 @!p0 $0x1;
	_ =	shalt  }
.Lfunc_end2:
_tile_overlayer_lowered:
.L_overlay_start_2:
0xa0: {  	(tag) =	ssettag $0x2  }
0xa1: {  	s0 =	rddreg [dreg:$0x0];
	s2 =	stileid.u32  }
0xa2: {  	s1 =	rddreg [dreg:$0x1];
	p0 =	sne.s32 s2, $0x0  }
0xa3: {  	s3 =	rddreg [dreg:$0x2];
	[bflag:$0x3] =	sbarrier.arrive $0xFFFF;
	s2 =	simm.s32 @!p0 $0x1C02  }
0xa4: {  	[timem:s3], [sflag:s2] =	dma.local @!p0 [hbm:s0], s1  }
0xa5: {  	s0 =	simm.s32 @!p0 $0x2  }
0xa6: {  	_ =	swait.ge @!p0 [sflag:s0], s1  }
0xa7: {  	s1 =	ssub.s32 @!p0 $0x0, s1;
	[sflag:s0] =	ssyncset.done @!p0 $0x0  }
0xa8: {  	[sflag:s0] =	ssyncadd.s32 @!p0 s1  }
0xa9: {  	[bflag:$0x3] =	sbarrier.arrive $0xFFFF  }
0xaa: {  	_ =	shalt  }

</sc_bundles>
